<compile_context>
chip_gen: v7x
topology: tpu7x:2x2x1
jax: 0.10.2.dev20260603
libtpu: 0.0.44.dev20260713+nightly
codegen_flags: <defaults>
</compile_context>

<pallas_src>
import functools

import jax
import jax.numpy as jnp
from jax import lax
from jax.experimental import pallas as pl
from jax.experimental.pallas import tpu as pltpu
from jax.experimental.pallas import tpu_sc as plsc

_CH = 8
_SCH = 8
_SROWS = 256


@functools.cache
def _build_gather(n_rows: int, dim: int):
    info = plsc.get_sparse_core_info()
    nc, ns = info.num_cores, info.num_subcores
    nw = nc * ns
    rows_per_w = n_rows // nw
    assert n_rows % (8 * nw) == 0
    t_rows = rows_per_w - _SROWS
    n_chunks = t_rows // _CH
    s_chunks = _SROWS // _SCH
    n_loop = (n_chunks - 2) // 2
    assert 2 * n_loop == s_chunks - 2
    mesh = plsc.VectorSubcoreMesh(core_axis_name="c", subcore_axis_name="s")

    def body(ids_hbm, table_hbm, out_hbm, idx_v, rows_v, stage_sh, *sems):
        gsems = sems[0:2]
        wsems = sems[2:4]
        ssems = sems[4:6]
        fsems = sems[6:8]
        sid = lax.axis_index("s")
        wid = sid * nc + lax.axis_index("c")
        base = wid * rows_per_w
        pltpu.sync_copy(ids_hbm.at[pl.ds(base, rows_per_w)], idx_v)

        def start_gather(c, b):
            off = pl.multiple_of(_SROWS + c * _CH, _CH)
            pltpu.async_copy(
                table_hbm.at[idx_v.at[pl.ds(off, _CH)]], rows_v.at[b],
                gsems[b])

        def wait_gather(b):
            pltpu.make_async_copy(
                table_hbm.at[idx_v.at[pl.ds(0, _CH)]], rows_v.at[b],
                gsems[b]).wait()

        def start_write(c, b):
            off = pl.multiple_of(_SROWS + c * _CH, _CH)
            pltpu.async_copy(
                rows_v.at[b], out_hbm.at[pl.ds(base + off, _CH)], wsems[b])

        def wait_write(b):
            pltpu.make_async_copy(
                rows_v.at[b], out_hbm.at[pl.ds(base, _CH)], wsems[b]).wait()

        def stream_step(c, b):
            wait_write(1 - b)
            start_gather(c + 1, 1 - b)
            wait_gather(b)
            start_write(c, b)

        def start_stage(j, sl):
            ids8 = idx_v[pl.ds(pl.multiple_of(j * _SCH, _SCH), _SCH)]
            for r in range(_SCH):
                row = ids8[r]
                pltpu.async_copy(
                    table_hbm.at[pl.ds(row, 1)],
                    stage_sh.at[sid, sl, pl.ds(r, 1)], ssems[sl])

        def wait_stage(sl):
            pltpu.make_async_copy(
                table_hbm.at[pl.ds(0, _SCH)], stage_sh.at[sid, sl],
                ssems[sl]).wait()

        def start_flush(j, sl):
            off = pl.multiple_of(j * _SCH, _SCH)
            pltpu.async_copy(
                stage_sh.at[sid, sl], out_hbm.at[pl.ds(base + off, _SCH)],
                fsems[sl])

        def wait_flush(sl):
            pltpu.make_async_copy(
                stage_sh.at[sid, 0], out_hbm.at[pl.ds(base, _SCH)],
                fsems[sl]).wait()

        def spmem_step(j, sl):
            wait_flush(1 - sl)
            start_stage(j + 1, 1 - sl)
            wait_stage(sl)
            start_flush(j, sl)

        start_stage(0, 0)
        start_gather(0, 0)
        start_stage(1, 1)
        start_gather(1, 1)
        wait_stage(0)
        start_flush(0, 0)
        wait_gather(0)
        start_write(0, 0)

        @pl.loop(0, n_loop)
        def _(g):
            for t in range(2):
                stream_step(1 + 2 * g + t, (1 + t) % 2)
                spmem_step(1 + 2 * g + t, (1 + t) % 2)

        c_last = n_chunks - 1
        wait_write(0)
        wait_gather(1)
        start_write(c_last, 1)
        j_last = s_chunks - 1
        wait_stage(1)
        start_flush(j_last, 1)
        wait_write(1)
        wait_flush(0)
        wait_flush(1)

    return pl.kernel(
        body,
        out_type=jax.ShapeDtypeStruct((n_rows, dim), jnp.float32),
        mesh=mesh,
        scratch_types=[
            pltpu.VMEM((rows_per_w,), jnp.int32),
            pltpu.VMEM((2, _CH, dim), jnp.float32),
            pltpu.VMEM_SHARED((ns, 2, _SCH, dim), jnp.float32),
        ] + [pltpu.SemaphoreType.DMA] * 8,
    )


def kernel(input_ids, attention_mask, table):
    b, s = input_ids.shape
    dim = table.shape[1]
    ids = input_ids.reshape(-1).astype(jnp.int32)
    out = _build_gather(b * s, dim)(ids, table)
    return out.reshape(b, s, dim), attention_mask

# --- scband reference (transcript-rebuilt; emitter-appended) ---
"""Pipeline reference for scband-fin-gptr1-tokenizer-68728066670945 (READ-ONLY COPY).

The authoritative reference and input builder live on the scoring server;
editing this copy changes nothing except your own understanding.
"""

import jax, jax.numpy as jnp
import numpy as np

VOCAB = 32000
DIM = 3200
BATCH = 8
SEQ = 2048

def setup_inputs(seed: int = 0) -> dict:
    key = jax.random.key(seed)
    k_ids, k_tab = jax.random.split(key)
    input_ids = jax.random.randint(k_ids, (BATCH, SEQ), 0, VOCAB, dtype=jnp.int64 if jax.config.jax_enable_x64 else jnp.int32)
    attention_mask = jnp.ones((BATCH, SEQ), dtype=input_ids.dtype)
    # learned parameter: custom embedding table (original + added financial tokens merged)
    table = jax.random.normal(k_tab, (VOCAB, DIM), dtype=jnp.float32) * 0.02
    return {"input_ids": input_ids, "attention_mask": attention_mask, "table": table}

def reference(input_ids, attention_mask, table):
    # Faithful core of FinGPTR1_Tokenizer.forward: tokenized corpus ids are
    # looked up in the (custom) embedding layer row-by-row and concatenated
    # along batch; with fixed-length tokenization this is a single gather.
    embeddings_batch = jnp.take(table, input_ids, axis=0)  # [B, S, D]
    return (embeddings_batch, attention_mask)

if __name__ == "__main__":
    import jax
    _d = setup_inputs()
    print(jax.jit(kernel)(*tuple(_d.values())))

</pallas_src>

<mosaic_0001>
#map = affine_map<(d0, d1) -> (0)>
#map1 = affine_map<(d0, d1) -> (0, 0)>
module attributes {stable_mosaic.version = 14 : i64} {
  func.func @body(%arg0: i32, %arg1: i32, %arg2: memref<16384xi32, #tpu.memory_space<hbm>>, %arg3: memref<32000x3200xf32, #tpu.memory_space<hbm>>, %arg4: memref<16384x3200xf32, #tpu.memory_space<hbm>>, %arg5: memref<512xi32, #tpu.memory_space<vmem>>, %arg6: memref<2x8x3200xf32, #tpu.memory_space<vmem>>, %arg7: memref<16x2x8x3200xf32, #tpu.memory_space<vmem_shared>>, %arg8: memref<!tpu.dma_semaphore, #tpu.memory_space<semaphore_mem>>, %arg9: memref<!tpu.dma_semaphore, #tpu.memory_space<semaphore_mem>>, %arg10: memref<!tpu.dma_semaphore, #tpu.memory_space<semaphore_mem>>, %arg11: memref<!tpu.dma_semaphore, #tpu.memory_space<semaphore_mem>>, %arg12: memref<!tpu.dma_semaphore, #tpu.memory_space<semaphore_mem>>, %arg13: memref<!tpu.dma_semaphore, #tpu.memory_space<semaphore_mem>>, %arg14: memref<!tpu.dma_semaphore, #tpu.memory_space<semaphore_mem>>, %arg15: memref<!tpu.dma_semaphore, #tpu.memory_space<semaphore_mem>>) attributes {dimension_semantics = [#tpu.dimension_semantics<core_parallel>, #tpu.dimension_semantics<subcore_parallel>], iteration_bounds = array<i64: 2, 16>, scalar_prefetch = 0 : i64, scratch_operands = 11 : i64, tpu.core_type = #tpu.core_type<sc_vector_subcore>, window_params = [{transform_indices = #map}, {transform_indices = #map1}, {transform_indices = #map1}]} {
    %mul3A = arith.constant 2 : i32
    %mul3A_0 = arith.muli %arg1, %mul3A : i32
    %add3A = arith.addi %mul3A_0, %arg0 : i32
    %mul3A_1 = arith.constant 512 : i32
    %mul3A_2 = arith.muli %add3A, %mul3A_1 : i32
    "tpu.region"() ({
      %run_scoped3A = tpu.sem_alloc : memref<!tpu.dma_semaphore, #tpu.memory_space<semaphore_mem>>
      %dma_start3A_305 = tpu.memref_slice %arg2[%mul3A_2] : memref<16384xi32, #tpu.memory_space<hbm>> -> memref<512xi32, #tpu.memory_space<hbm>>
      %dma_start3A_306 = tpu.memref_slice %arg2[%mul3A_2] : memref<16384xi32, #tpu.memory_space<hbm>> -> memref<512xi32, #tpu.memory_space<hbm>>
      tpu.enqueue_dma source(%dma_start3A_306 : memref<512xi32, #tpu.memory_space<hbm>>) target(%arg5 : memref<512xi32, #tpu.memory_space<vmem>>) target_semaphore(%run_scoped3A : memref<!tpu.dma_semaphore, #tpu.memory_space<semaphore_mem>>)
      %dma_wait3A_307 = tpu.memref_slice %arg2[%mul3A_2] : memref<16384xi32, #tpu.memory_space<hbm>> -> memref<512xi32, #tpu.memory_space<hbm>>
      %dma_wait3A_308 = tpu.memref_slice %arg2[%mul3A_2] : memref<16384xi32, #tpu.memory_space<hbm>> -> memref<512xi32, #tpu.memory_space<hbm>>
      tpu.wait_dma2 semaphore(%run_scoped3A : memref<!tpu.dma_semaphore, #tpu.memory_space<semaphore_mem>>) src(%dma_wait3A_308 : memref<512xi32, #tpu.memory_space<hbm>>) dst(%arg5 : memref<512xi32, #tpu.memory_space<vmem>>)
      tpu.yield
    }) : () -> ()
    %multiple_of3A = arith.constant 0 : i32
    %multiple_of3A_3 = tpu.assume_multiple %multiple_of3A, 8 : i32
    %get3A = arith.index_cast %multiple_of3A_3 : i32 to index
    %get3A_4 = tpu.vector_load %arg5[%get3A] {strides = array<i32>} : memref<512xi32, #tpu.memory_space<vmem>>, vector<8xi32>,
    %get3A_5 = vector.shape_cast %get3A_4 : vector<8xi32> to vector<8xi32>
    %slice3A = vector.extract_strided_slice %get3A_5 {offsets = [0], sizes = [1], strides = [1]} : vector<8xi32> to vector<1xi32>
    %squeeze3A = vector.extract %slice3A[0] : i32 from vector<1xi32>
    %dma_start3A = arith.constant 0 : i32
    %dma_start3A_6 = arith.constant 0 : i32
    %dma_start3A_7 = arith.constant 0 : i32
    %dma_start3A_8 = tpu.memref_slice %arg7[%arg1, %dma_start3A, %dma_start3A_6, %dma_start3A_7] : memref<16x2x8x3200xf32, #tpu.memory_space<vmem_shared>> -> memref<1x1x1x3200xf32, #tpu.memory_space<vmem_shared>>
    %dma_start3A_9 = tpu.memref_squeeze %dma_start3A_8 : memref<1x1x1x3200xf32, #tpu.memory_space<vmem_shared>> -> memref<1x3200xf32, #tpu.memory_space<vmem_shared>>
    %dma_start3A_10 = arith.constant 0 : i32
    %dma_start3A_11 = tpu.memref_slice %arg3[%squeeze3A, %dma_start3A_10] : memref<32000x3200xf32, #tpu.memory_space<hbm>> -> memref<1x3200xf32, #tpu.memory_space<hbm>>
    tpu.enqueue_dma source(%dma_start3A_11 : memref<1x3200xf32, #tpu.memory_space<hbm>>) target(%dma_start3A_9 : memref<1x3200xf32, #tpu.memory_space<vmem_shared>>) target_semaphore(%arg12 : memref<!tpu.dma_semaphore, #tpu.memory_space<semaphore_mem>>)
    %slice3A_12 = vector.extract_strided_slice %get3A_5 {offsets = [1], sizes = [1], strides = [1]} : vector<8xi32> to vector<1xi32>
    %squeeze3A_13 = vector.extract %slice3A_12[0] : i32 from vector<1xi32>
    %dma_start3A_14 = arith.constant 0 : i32
    %dma_start3A_15 = arith.constant 1 : i32
    %dma_start3A_16 = arith.constant 0 : i32
    %dma_start3A_17 = tpu.memref_slice %arg7[%arg1, %dma_start3A_14, %dma_start3A_15, %dma_start3A_16] : memref<16x2x8x3200xf32, #tpu.memory_space<vmem_shared>> -> memref<1x1x1x3200xf32, #tpu.memory_space<vmem_shared>>
    %dma_start3A_18 = tpu.memref_squeeze %dma_start3A_17 : memref<1x1x1x3200xf32, #tpu.memory_space<vmem_shared>> -> memref<1x3200xf32, #tpu.memory_space<vmem_shared>>
    %dma_start3A_19 = arith.constant 0 : i32
    %dma_start3A_20 = tpu.memref_slice %arg3[%squeeze3A_13, %dma_start3A_19] : memref<32000x3200xf32, #tpu.memory_space<hbm>> -> memref<1x3200xf32, #tpu.memory_space<hbm>>
    tpu.enqueue_dma source(%dma_start3A_20 : memref<1x3200xf32, #tpu.memory_space<hbm>>) target(%dma_start3A_18 : memref<1x3200xf32, #tpu.memory_space<vmem_shared>>) target_semaphore(%arg12 : memref<!tpu.dma_semaphore, #tpu.memory_space<semaphore_mem>>)
    %slice3A_21 = vector.extract_strided_slice %get3A_5 {offsets = [2], sizes = [1], strides = [1]} : vector<8xi32> to vector<1xi32>
    %squeeze3A_22 = vector.extract %slice3A_21[0] : i32 from vector<1xi32>
    %dma_start3A_23 = arith.constant 0 : i32
    %dma_start3A_24 = arith.constant 2 : i32
    %dma_start3A_25 = arith.constant 0 : i32
    %dma_start3A_26 = tpu.memref_slice %arg7[%arg1, %dma_start3A_23, %dma_start3A_24, %dma_start3A_25] : memref<16x2x8x3200xf32, #tpu.memory_space<vmem_shared>> -> memref<1x1x1x3200xf32, #tpu.memory_space<vmem_shared>>
    %dma_start3A_27 = tpu.memref_squeeze %dma_start3A_26 : memref<1x1x1x3200xf32, #tpu.memory_space<vmem_shared>> -> memref<1x3200xf32, #tpu.memory_space<vmem_shared>>
    %dma_start3A_28 = arith.constant 0 : i32
    %dma_start3A_29 = tpu.memref_slice %arg3[%squeeze3A_22, %dma_start3A_28] : memref<32000x3200xf32, #tpu.memory_space<hbm>> -> memref<1x3200xf32, #tpu.memory_space<hbm>>
    tpu.enqueue_dma source(%dma_start3A_29 : memref<1x3200xf32, #tpu.memory_space<hbm>>) target(%dma_start3A_27 : memref<1x3200xf32, #tpu.memory_space<vmem_shared>>) target_semaphore(%arg12 : memref<!tpu.dma_semaphore, #tpu.memory_space<semaphore_mem>>)
    %slice3A_30 = vector.extract_strided_slice %get3A_5 {offsets = [3], sizes = [1], strides = [1]} : vector<8xi32> to vector<1xi32>
    %squeeze3A_31 = vector.extract %slice3A_30[0] : i32 from vector<1xi32>
    %dma_start3A_32 = arith.constant 0 : i32
    %dma_start3A_33 = arith.constant 3 : i32
    %dma_start3A_34 = arith.constant 0 : i32
    %dma_start3A_35 = tpu.memref_slice %arg7[%arg1, %dma_start3A_32, %dma_start3A_33, %dma_start3A_34] : memref<16x2x8x3200xf32, #tpu.memory_space<vmem_shared>> -> memref<1x1x1x3200xf32, #tpu.memory_space<vmem_shared>>
    %dma_start3A_36 = tpu.memref_squeeze %dma_start3A_35 : memref<1x1x1x3200xf32, #tpu.memory_space<vmem_shared>> -> memref<1x3200xf32, #tpu.memory_space<vmem_shared>>
    %dma_start3A_37 = arith.constant 0 : i32
    %dma_start3A_38 = tpu.memref_slice %arg3[%squeeze3A_31, %dma_start3A_37] : memref<32000x3200xf32, #tpu.memory_space<hbm>> -> memref<1x3200xf32, #tpu.memory_space<hbm>>
    tpu.enqueue_dma source(%dma_start3A_38 : memref<1x3200xf32, #tpu.memory_space<hbm>>) target(%dma_start3A_36 : memref<1x3200xf32, #tpu.memory_space<vmem_shared>>) target_semaphore(%arg12 : memref<!tpu.dma_semaphore, #tpu.memory_space<semaphore_mem>>)
    %slice3A_39 = vector.extract_strided_slice %get3A_5 {offsets = [4], sizes = [1], strides = [1]} : vector<8xi32> to vector<1xi32>
    %squeeze3A_40 = vector.extract %slice3A_39[0] : i32 from vector<1xi32>
    %dma_start3A_41 = arith.constant 0 : i32
    %dma_start3A_42 = arith.constant 4 : i32
    %dma_start3A_43 = arith.constant 0 : i32
    %dma_start3A_44 = tpu.memref_slice %arg7[%arg1, %dma_start3A_41, %dma_start3A_42, %dma_start3A_43] : memref<16x2x8x3200xf32, #tpu.memory_space<vmem_shared>> -> memref<1x1x1x3200xf32, #tpu.memory_space<vmem_shared>>
    %dma_start3A_45 = tpu.memref_squeeze %dma_start3A_44 : memref<1x1x1x3200xf32, #tpu.memory_space<vmem_shared>> -> memref<1x3200xf32, #tpu.memory_space<vmem_shared>>
    %dma_start3A_46 = arith.constant 0 : i32
    %dma_start3A_47 = tpu.memref_slice %arg3[%squeeze3A_40, %dma_start3A_46] : memref<32000x3200xf32, #tpu.memory_space<hbm>> -> memref<1x3200xf32, #tpu.memory_space<hbm>>
    tpu.enqueue_dma source(%dma_start3A_47 : memref<1x3200xf32, #tpu.memory_space<hbm>>) target(%dma_start3A_45 : memref<1x3200xf32, #tpu.memory_space<vmem_shared>>) target_semaphore(%arg12 : memref<!tpu.dma_semaphore, #tpu.memory_space<semaphore_mem>>)
    %slice3A_48 = vector.extract_strided_slice %get3A_5 {offsets = [5], sizes = [1], strides = [1]} : vector<8xi32> to vector<1xi32>
    %squeeze3A_49 = vector.extract %slice3A_48[0] : i32 from vector<1xi32>
    %dma_start3A_50 = arith.constant 0 : i32
    %dma_start3A_51 = arith.constant 5 : i32
    %dma_start3A_52 = arith.constant 0 : i32
    %dma_start3A_53 = tpu.memref_slice %arg7[%arg1, %dma_start3A_50, %dma_start3A_51, %dma_start3A_52] : memref<16x2x8x3200xf32, #tpu.memory_space<vmem_shared>> -> memref<1x1x1x3200xf32, #tpu.memory_space<vmem_shared>>
    %dma_start3A_54 = tpu.memref_squeeze %dma_start3A_53 : memref<1x1x1x3200xf32, #tpu.memory_space<vmem_shared>> -> memref<1x3200xf32, #tpu.memory_space<vmem_shared>>
    %dma_start3A_55 = arith.constant 0 : i32
    %dma_start3A_56 = tpu.memref_slice %arg3[%squeeze3A_49, %dma_start3A_55] : memref<32000x3200xf32, #tpu.memory_space<hbm>> -> memref<1x3200xf32, #tpu.memory_space<hbm>>
    tpu.enqueue_dma source(%dma_start3A_56 : memref<1x3200xf32, #tpu.memory_space<hbm>>) target(%dma_start3A_54 : memref<1x3200xf32, #tpu.memory_space<vmem_shared>>) target_semaphore(%arg12 : memref<!tpu.dma_semaphore, #tpu.memory_space<semaphore_mem>>)
    %slice3A_57 = vector.extract_strided_slice %get3A_5 {offsets = [6], sizes = [1], strides = [1]} : vector<8xi32> to vector<1xi32>
    %squeeze3A_58 = vector.extract %slice3A_57[0] : i32 from vector<1xi32>
    %dma_start3A_59 = arith.constant 0 : i32
    %dma_start3A_60 = arith.constant 6 : i32
    %dma_start3A_61 = arith.constant 0 : i32
    %dma_start3A_62 = tpu.memref_slice %arg7[%arg1, %dma_start3A_59, %dma_start3A_60, %dma_start3A_61] : memref<16x2x8x3200xf32, #tpu.memory_space<vmem_shared>> -> memref<1x1x1x3200xf32, #tpu.memory_space<vmem_shared>>
    %dma_start3A_63 = tpu.memref_squeeze %dma_start3A_62 : memref<1x1x1x3200xf32, #tpu.memory_space<vmem_shared>> -> memref<1x3200xf32, #tpu.memory_space<vmem_shared>>
    %dma_start3A_64 = arith.constant 0 : i32
    %dma_start3A_65 = tpu.memref_slice %arg3[%squeeze3A_58, %dma_start3A_64] : memref<32000x3200xf32, #tpu.memory_space<hbm>> -> memref<1x3200xf32, #tpu.memory_space<hbm>>
    tpu.enqueue_dma source(%dma_start3A_65 : memref<1x3200xf32, #tpu.memory_space<hbm>>) target(%dma_start3A_63 : memref<1x3200xf32, #tpu.memory_space<vmem_shared>>) target_semaphore(%arg12 : memref<!tpu.dma_semaphore, #tpu.memory_space<semaphore_mem>>)
    %slice3A_66 = vector.extract_strided_slice %get3A_5 {offsets = [7], sizes = [1], strides = [1]} : vector<8xi32> to vector<1xi32>
    %squeeze3A_67 = vector.extract %slice3A_66[0] : i32 from vector<1xi32>
    %dma_start3A_68 = arith.constant 0 : i32
    %dma_start3A_69 = arith.constant 7 : i32
    %dma_start3A_70 = arith.constant 0 : i32
    %dma_start3A_71 = tpu.memref_slice %arg7[%arg1, %dma_start3A_68, %dma_start3A_69, %dma_start3A_70] : memref<16x2x8x3200xf32, #tpu.memory_space<vmem_shared>> -> memref<1x1x1x3200xf32, #tpu.memory_space<vmem_shared>>
    %dma_start3A_72 = tpu.memref_squeeze %dma_start3A_71 : memref<1x1x1x3200xf32, #tpu.memory_space<vmem_shared>> -> memref<1x3200xf32, #tpu.memory_space<vmem_shared>>
    %dma_start3A_73 = arith.constant 0 : i32
    %dma_start3A_74 = tpu.memref_slice %arg3[%squeeze3A_67, %dma_start3A_73] : memref<32000x3200xf32, #tpu.memory_space<hbm>> -> memref<1x3200xf32, #tpu.memory_space<hbm>>
    tpu.enqueue_dma source(%dma_start3A_74 : memref<1x3200xf32, #tpu.memory_space<hbm>>) target(%dma_start3A_72 : memref<1x3200xf32, #tpu.memory_space<vmem_shared>>) target_semaphore(%arg12 : memref<!tpu.dma_semaphore, #tpu.memory_space<semaphore_mem>>)
    %multiple_of3A_75 = arith.constant 256 : i32
    %multiple_of3A_76 = tpu.assume_multiple %multiple_of3A_75, 8 : i32
    %dma_start3A_77 = arith.constant 0 : i32
    %dma_start3A_78 = arith.constant 0 : i32
    %dma_start3A_79 = arith.constant 0 : i32
    %dma_start3A_80 = tpu.memref_slice %arg6[%dma_start3A_77, %dma_start3A_78, %dma_start3A_79] : memref<2x8x3200xf32, #tpu.memory_space<vmem>> -> memref<1x8x3200xf32, #tpu.memory_space<vmem>>
    %dma_start3A_81 = tpu.memref_squeeze %dma_start3A_80 : memref<1x8x3200xf32, #tpu.memory_space<vmem>> -> memref<8x3200xf32, #tpu.memory_space<vmem>>
    %dma_start3A_82 = tpu.memref_slice %arg5[%multiple_of3A_76] : memref<512xi32, #tpu.memory_space<vmem>> -> memref<8xi32, #tpu.memory_space<vmem>>
    %dma_start3A_83 = arith.constant 0 : i32
    %dma_start3A_84 = arith.constant 0 : i32
    %dma_start3A_85 = tpu.memref_slice %arg3[%dma_start3A_83, %dma_start3A_84] : memref<32000x3200xf32, #tpu.memory_space<hbm>> -> memref<32000x3200xf32, #tpu.memory_space<hbm>>
    tpu.enqueue_indirect_dma source(%dma_start3A_85 : memref<32000x3200xf32, #tpu.memory_space<hbm>>) target(%dma_start3A_81 : memref<8x3200xf32, #tpu.memory_space<vmem>>) offsets(%dma_start3A_82 : memref<8xi32, #tpu.memory_space<vmem>>) semaphore(%arg8 : memref<!tpu.dma_semaphore, #tpu.memory_space<semaphore_mem>>)
    %multiple_of3A_86 = arith.constant 8 : i32
    %multiple_of3A_87 = tpu.assume_multiple %multiple_of3A_86, 8 : i32
    %get3A_88 = arith.index_cast %multiple_of3A_87 : i32 to index
    %get3A_89 = tpu.vector_load %arg5[%get3A_88] {strides = array<i32>} : memref<512xi32, #tpu.memory_space<vmem>>, vector<8xi32>,
    %get3A_90 = vector.shape_cast %get3A_89 : vector<8xi32> to vector<8xi32>
    %slice3A_91 = vector.extract_strided_slice %get3A_90 {offsets = [0], sizes = [1], strides = [1]} : vector<8xi32> to vector<1xi32>
    %squeeze3A_92 = vector.extract %slice3A_91[0] : i32 from vector<1xi32>
    %dma_start3A_93 = arith.constant 1 : i32
    %dma_start3A_94 = arith.constant 0 : i32
    %dma_start3A_95 = arith.constant 0 : i32
    %dma_start3A_96 = tpu.memref_slice %arg7[%arg1, %dma_start3A_93, %dma_start3A_94, %dma_start3A_95] : memref<16x2x8x3200xf32, #tpu.memory_space<vmem_shared>> -> memref<1x1x1x3200xf32, #tpu.memory_space<vmem_shared>>
    %dma_start3A_97 = tpu.memref_squeeze %dma_start3A_96 : memref<1x1x1x3200xf32, #tpu.memory_space<vmem_shared>> -> memref<1x3200xf32, #tpu.memory_space<vmem_shared>>
    %dma_start3A_98 = arith.constant 0 : i32
    %dma_start3A_99 = tpu.memref_slice %arg3[%squeeze3A_92, %dma_start3A_98] : memref<32000x3200xf32, #tpu.memory_space<hbm>> -> memref<1x3200xf32, #tpu.memory_space<hbm>>
    tpu.enqueue_dma source(%dma_start3A_99 : memref<1x3200xf32, #tpu.memory_space<hbm>>) target(%dma_start3A_97 : memref<1x3200xf32, #tpu.memory_space<vmem_shared>>) target_semaphore(%arg13 : memref<!tpu.dma_semaphore, #tpu.memory_space<semaphore_mem>>)
    %slice3A_100 = vector.extract_strided_slice %get3A_90 {offsets = [1], sizes = [1], strides = [1]} : vector<8xi32> to vector<1xi32>
    %squeeze3A_101 = vector.extract %slice3A_100[0] : i32 from vector<1xi32>
    %dma_start3A_102 = arith.constant 1 : i32
    %dma_start3A_103 = arith.constant 1 : i32
    %dma_start3A_104 = arith.constant 0 : i32
    %dma_start3A_105 = tpu.memref_slice %arg7[%arg1, %dma_start3A_102, %dma_start3A_103, %dma_start3A_104] : memref<16x2x8x3200xf32, #tpu.memory_space<vmem_shared>> -> memref<1x1x1x3200xf32, #tpu.memory_space<vmem_shared>>
    %dma_start3A_106 = tpu.memref_squeeze %dma_start3A_105 : memref<1x1x1x3200xf32, #tpu.memory_space<vmem_shared>> -> memref<1x3200xf32, #tpu.memory_space<vmem_shared>>
    %dma_start3A_107 = arith.constant 0 : i32
    %dma_start3A_108 = tpu.memref_slice %arg3[%squeeze3A_101, %dma_start3A_107] : memref<32000x3200xf32, #tpu.memory_space<hbm>> -> memref<1x3200xf32, #tpu.memory_space<hbm>>
    tpu.enqueue_dma source(%dma_start3A_108 : memref<1x3200xf32, #tpu.memory_space<hbm>>) target(%dma_start3A_106 : memref<1x3200xf32, #tpu.memory_space<vmem_shared>>) target_semaphore(%arg13 : memref<!tpu.dma_semaphore, #tpu.memory_space<semaphore_mem>>)
    %slice3A_109 = vector.extract_strided_slice %get3A_90 {offsets = [2], sizes = [1], strides = [1]} : vector<8xi32> to vector<1xi32>
    %squeeze3A_110 = vector.extract %slice3A_109[0] : i32 from vector<1xi32>
    %dma_start3A_111 = arith.constant 1 : i32
    %dma_start3A_112 = arith.constant 2 : i32
    %dma_start3A_113 = arith.constant 0 : i32
    %dma_start3A_114 = tpu.memref_slice %arg7[%arg1, %dma_start3A_111, %dma_start3A_112, %dma_start3A_113] : memref<16x2x8x3200xf32, #tpu.memory_space<vmem_shared>> -> memref<1x1x1x3200xf32, #tpu.memory_space<vmem_shared>>
    %dma_start3A_115 = tpu.memref_squeeze %dma_start3A_114 : memref<1x1x1x3200xf32, #tpu.memory_space<vmem_shared>> -> memref<1x3200xf32, #tpu.memory_space<vmem_shared>>
    %dma_start3A_116 = arith.constant 0 : i32
    %dma_start3A_117 = tpu.memref_slice %arg3[%squeeze3A_110, %dma_start3A_116] : memref<32000x3200xf32, #tpu.memory_space<hbm>> -> memref<1x3200xf32, #tpu.memory_space<hbm>>
    tpu.enqueue_dma source(%dma_start3A_117 : memref<1x3200xf32, #tpu.memory_space<hbm>>) target(%dma_start3A_115 : memref<1x3200xf32, #tpu.memory_space<vmem_shared>>) target_semaphore(%arg13 : memref<!tpu.dma_semaphore, #tpu.memory_space<semaphore_mem>>)
    %slice3A_118 = vector.extract_strided_slice %get3A_90 {offsets = [3], sizes = [1], strides = [1]} : vector<8xi32> to vector<1xi32>
    %squeeze3A_119 = vector.extract %slice3A_118[0] : i32 from vector<1xi32>
    %dma_start3A_120 = arith.constant 1 : i32
    %dma_start3A_121 = arith.constant 3 : i32
    %dma_start3A_122 = arith.constant 0 : i32
    %dma_start3A_123 = tpu.memref_slice %arg7[%arg1, %dma_start3A_120, %dma_start3A_121, %dma_start3A_122] : memref<16x2x8x3200xf32, #tpu.memory_space<vmem_shared>> -> memref<1x1x1x3200xf32, #tpu.memory_space<vmem_shared>>
    %dma_start3A_124 = tpu.memref_squeeze %dma_start3A_123 : memref<1x1x1x3200xf32, #tpu.memory_space<vmem_shared>> -> memref<1x3200xf32, #tpu.memory_space<vmem_shared>>
    %dma_start3A_125 = arith.constant 0 : i32
    %dma_start3A_126 = tpu.memref_slice %arg3[%squeeze3A_119, %dma_start3A_125] : memref<32000x3200xf32, #tpu.memory_space<hbm>> -> memref<1x3200xf32, #tpu.memory_space<hbm>>
    tpu.enqueue_dma source(%dma_start3A_126 : memref<1x3200xf32, #tpu.memory_space<hbm>>) target(%dma_start3A_124 : memref<1x3200xf32, #tpu.memory_space<vmem_shared>>) target_semaphore(%arg13 : memref<!tpu.dma_semaphore, #tpu.memory_space<semaphore_mem>>)
    %slice3A_127 = vector.extract_strided_slice %get3A_90 {offsets = [4], sizes = [1], strides = [1]} : vector<8xi32> to vector<1xi32>
    %squeeze3A_128 = vector.extract %slice3A_127[0] : i32 from vector<1xi32>
    %dma_start3A_129 = arith.constant 1 : i32
    %dma_start3A_130 = arith.constant 4 : i32
    %dma_start3A_131 = arith.constant 0 : i32
    %dma_start3A_132 = tpu.memref_slice %arg7[%arg1, %dma_start3A_129, %dma_start3A_130, %dma_start3A_131] : memref<16x2x8x3200xf32, #tpu.memory_space<vmem_shared>> -> memref<1x1x1x3200xf32, #tpu.memory_space<vmem_shared>>
    %dma_start3A_133 = tpu.memref_squeeze %dma_start3A_132 : memref<1x1x1x3200xf32, #tpu.memory_space<vmem_shared>> -> memref<1x3200xf32, #tpu.memory_space<vmem_shared>>
    %dma_start3A_134 = arith.constant 0 : i32
    %dma_start3A_135 = tpu.memref_slice %arg3[%squeeze3A_128, %dma_start3A_134] : memref<32000x3200xf32, #tpu.memory_space<hbm>> -> memref<1x3200xf32, #tpu.memory_space<hbm>>
    tpu.enqueue_dma source(%dma_start3A_135 : memref<1x3200xf32, #tpu.memory_space<hbm>>) target(%dma_start3A_133 : memref<1x3200xf32, #tpu.memory_space<vmem_shared>>) target_semaphore(%arg13 : memref<!tpu.dma_semaphore, #tpu.memory_space<semaphore_mem>>)
    %slice3A_136 = vector.extract_strided_slice %get3A_90 {offsets = [5], sizes = [1], strides = [1]} : vector<8xi32> to vector<1xi32>
    %squeeze3A_137 = vector.extract %slice3A_136[0] : i32 from vector<1xi32>
    %dma_start3A_138 = arith.constant 1 : i32
    %dma_start3A_139 = arith.constant 5 : i32
    %dma_start3A_140 = arith.constant 0 : i32
    %dma_start3A_141 = tpu.memref_slice %arg7[%arg1, %dma_start3A_138, %dma_start3A_139, %dma_start3A_140] : memref<16x2x8x3200xf32, #tpu.memory_space<vmem_shared>> -> memref<1x1x1x3200xf32, #tpu.memory_space<vmem_shared>>
    %dma_start3A_142 = tpu.memref_squeeze %dma_start3A_141 : memref<1x1x1x3200xf32, #tpu.memory_space<vmem_shared>> -> memref<1x3200xf32, #tpu.memory_space<vmem_shared>>
    %dma_start3A_143 = arith.constant 0 : i32
    %dma_start3A_144 = tpu.memref_slice %arg3[%squeeze3A_137, %dma_start3A_143] : memref<32000x3200xf32, #tpu.memory_space<hbm>> -> memref<1x3200xf32, #tpu.memory_space<hbm>>
    tpu.enqueue_dma source(%dma_start3A_144 : memref<1x3200xf32, #tpu.memory_space<hbm>>) target(%dma_start3A_142 : memref<1x3200xf32, #tpu.memory_space<vmem_shared>>) target_semaphore(%arg13 : memref<!tpu.dma_semaphore, #tpu.memory_space<semaphore_mem>>)
    %slice3A_145 = vector.extract_strided_slice %get3A_90 {offsets = [6], sizes = [1], strides = [1]} : vector<8xi32> to vector<1xi32>
    %squeeze3A_146 = vector.extract %slice3A_145[0] : i32 from vector<1xi32>
    %dma_start3A_147 = arith.constant 1 : i32
    %dma_start3A_148 = arith.constant 6 : i32
    %dma_start3A_149 = arith.constant 0 : i32
    %dma_start3A_150 = tpu.memref_slice %arg7[%arg1, %dma_start3A_147, %dma_start3A_148, %dma_start3A_149] : memref<16x2x8x3200xf32, #tpu.memory_space<vmem_shared>> -> memref<1x1x1x3200xf32, #tpu.memory_space<vmem_shared>>
    %dma_start3A_151 = tpu.memref_squeeze %dma_start3A_150 : memref<1x1x1x3200xf32, #tpu.memory_space<vmem_shared>> -> memref<1x3200xf32, #tpu.memory_space<vmem_shared>>
    %dma_start3A_152 = arith.constant 0 : i32
    %dma_start3A_153 = tpu.memref_slice %arg3[%squeeze3A_146, %dma_start3A_152] : memref<32000x3200xf32, #tpu.memory_space<hbm>> -> memref<1x3200xf32, #tpu.memory_space<hbm>>
    tpu.enqueue_dma source(%dma_start3A_153 : memref<1x3200xf32, #tpu.memory_space<hbm>>) target(%dma_start3A_151 : memref<1x3200xf32, #tpu.memory_space<vmem_shared>>) target_semaphore(%arg13 : memref<!tpu.dma_semaphore, #tpu.memory_space<semaphore_mem>>)
    %slice3A_154 = vector.extract_strided_slice %get3A_90 {offsets = [7], sizes = [1], strides = [1]} : vector<8xi32> to vector<1xi32>
    %squeeze3A_155 = vector.extract %slice3A_154[0] : i32 from vector<1xi32>
    %dma_start3A_156 = arith.constant 1 : i32
    %dma_start3A_157 = arith.constant 7 : i32
    %dma_start3A_158 = arith.constant 0 : i32
    %dma_start3A_159 = tpu.memref_slice %arg7[%arg1, %dma_start3A_156, %dma_start3A_157, %dma_start3A_158] : memref<16x2x8x3200xf32, #tpu.memory_space<vmem_shared>> -> memref<1x1x1x3200xf32, #tpu.memory_space<vmem_shared>>
    %dma_start3A_160 = tpu.memref_squeeze %dma_start3A_159 : memref<1x1x1x3200xf32, #tpu.memory_space<vmem_shared>> -> memref<1x3200xf32, #tpu.memory_space<vmem_shared>>
    %dma_start3A_161 = arith.constant 0 : i32
    %dma_start3A_162 = tpu.memref_slice %arg3[%squeeze3A_155, %dma_start3A_161] : memref<32000x3200xf32, #tpu.memory_space<hbm>> -> memref<1x3200xf32, #tpu.memory_space<hbm>>
    tpu.enqueue_dma source(%dma_start3A_162 : memref<1x3200xf32, #tpu.memory_space<hbm>>) target(%dma_start3A_160 : memref<1x3200xf32, #tpu.memory_space<vmem_shared>>) target_semaphore(%arg13 : memref<!tpu.dma_semaphore, #tpu.memory_space<semaphore_mem>>)
    %multiple_of3A_163 = arith.constant 264 : i32
    %multiple_of3A_164 = tpu.assume_multiple %multiple_of3A_163, 8 : i32
    %dma_start3A_165 = arith.constant 1 : i32
    %dma_start3A_166 = arith.constant 0 : i32
    %dma_start3A_167 = arith.constant 0 : i32
    %dma_start3A_168 = tpu.memref_slice %arg6[%dma_start3A_165, %dma_start3A_166, %dma_start3A_167] : memref<2x8x3200xf32, #tpu.memory_space<vmem>> -> memref<1x8x3200xf32, #tpu.memory_space<vmem>>
    %dma_start3A_169 = tpu.memref_squeeze %dma_start3A_168 : memref<1x8x3200xf32, #tpu.memory_space<vmem>> -> memref<8x3200xf32, #tpu.memory_space<vmem>>
    %dma_start3A_170 = tpu.memref_slice %arg5[%multiple_of3A_164] : memref<512xi32, #tpu.memory_space<vmem>> -> memref<8xi32, #tpu.memory_space<vmem>>
    %dma_start3A_171 = arith.constant 0 : i32
    %dma_start3A_172 = arith.constant 0 : i32
    %dma_start3A_173 = tpu.memref_slice %arg3[%dma_start3A_171, %dma_start3A_172] : memref<32000x3200xf32, #tpu.memory_space<hbm>> -> memref<32000x3200xf32, #tpu.memory_space<hbm>>
    tpu.enqueue_indirect_dma source(%dma_start3A_173 : memref<32000x3200xf32, #tpu.memory_space<hbm>>) target(%dma_start3A_169 : memref<8x3200xf32, #tpu.memory_space<vmem>>) offsets(%dma_start3A_170 : memref<8xi32, #tpu.memory_space<vmem>>) semaphore(%arg9 : memref<!tpu.dma_semaphore, #tpu.memory_space<semaphore_mem>>)
    %dma_wait3A = arith.constant 0 : i32
    %dma_wait3A_174 = arith.constant 0 : i32
    %dma_wait3A_175 = arith.constant 0 : i32
    %dma_wait3A_176 = tpu.memref_slice %arg7[%arg1, %dma_wait3A, %dma_wait3A_174, %dma_wait3A_175] : memref<16x2x8x3200xf32, #tpu.memory_space<vmem_shared>> -> memref<1x1x8x3200xf32, #tpu.memory_space<vmem_shared>>
    %dma_wait3A_177 = tpu.memref_squeeze %dma_wait3A_176 : memref<1x1x8x3200xf32, #tpu.memory_space<vmem_shared>> -> memref<8x3200xf32, #tpu.memory_space<vmem_shared>>
    %dma_wait3A_178 = arith.constant 0 : i32
    %dma_wait3A_179 = arith.constant 0 : i32
    %dma_wait3A_180 = tpu.memref_slice %arg3[%dma_wait3A_178, %dma_wait3A_179] : memref<32000x3200xf32, #tpu.memory_space<hbm>> -> memref<8x3200xf32, #tpu.memory_space<hbm>>
    tpu.wait_dma2 semaphore(%arg12 : memref<!tpu.dma_semaphore, #tpu.memory_space<semaphore_mem>>) src(%dma_wait3A_180 : memref<8x3200xf32, #tpu.memory_space<hbm>>) dst(%dma_wait3A_177 : memref<8x3200xf32, #tpu.memory_space<vmem_shared>>)
    %multiple_of3A_181 = arith.constant 0 : i32
    %multiple_of3A_182 = tpu.assume_multiple %multiple_of3A_181, 8 : i32
    %add3A_183 = arith.addi %mul3A_2, %multiple_of3A_182 : i32
    %dma_start3A_184 = arith.constant 0 : i32
    %dma_start3A_185 = arith.constant 0 : i32
    %dma_start3A_186 = tpu.memref_slice %arg4[%add3A_183, %dma_start3A_185] : memref<16384x3200xf32, #tpu.memory_space<hbm>> -> memref<8x3200xf32, #tpu.memory_space<hbm>>
    %dma_start3A_187 = arith.constant 0 : i32
    %dma_start3A_188 = arith.constant 0 : i32
    %dma_start3A_189 = tpu.memref_slice %arg7[%arg1, %dma_start3A_184, %dma_start3A_187, %dma_start3A_188] : memref<16x2x8x3200xf32, #tpu.memory_space<vmem_shared>> -> memref<1x1x8x3200xf32, #tpu.memory_space<vmem_shared>>
    %dma_start3A_190 = tpu.memref_squeeze %dma_start3A_189 : memref<1x1x8x3200xf32, #tpu.memory_space<vmem_shared>> -> memref<8x3200xf32, #tpu.memory_space<vmem_shared>>
    tpu.enqueue_dma source(%dma_start3A_190 : memref<8x3200xf32, #tpu.memory_space<vmem_shared>>) target(%dma_start3A_186 : memref<8x3200xf32, #tpu.memory_space<hbm>>) target_semaphore(%arg14 : memref<!tpu.dma_semaphore, #tpu.memory_space<semaphore_mem>>)
    %dma_wait3A_191 = arith.constant 0 : i32
    %dma_wait3A_192 = arith.constant 0 : i32
    %dma_wait3A_193 = arith.constant 0 : i32
    %dma_wait3A_194 = tpu.memref_slice %arg6[%dma_wait3A_191, %dma_wait3A_192, %dma_wait3A_193] : memref<2x8x3200xf32, #tpu.memory_space<vmem>> -> memref<1x8x3200xf32, #tpu.memory_space<vmem>>
    %dma_wait3A_195 = tpu.memref_squeeze %dma_wait3A_194 : memref<1x8x3200xf32, #tpu.memory_space<vmem>> -> memref<8x3200xf32, #tpu.memory_space<vmem>>
    %dma_wait3A_196 = arith.constant 0 : i32
    %dma_wait3A_197 = tpu.memref_slice %arg5[%dma_wait3A_196] : memref<512xi32, #tpu.memory_space<vmem>> -> memref<8xi32, #tpu.memory_space<vmem>>
    %dma_wait3A_198 = arith.constant 0 : i32
    %dma_wait3A_199 = arith.constant 0 : i32
    %dma_wait3A_200 = tpu.memref_slice %arg3[%dma_wait3A_198, %dma_wait3A_199] : memref<32000x3200xf32, #tpu.memory_space<hbm>> -> memref<32000x3200xf32, #tpu.memory_space<hbm>>
    tpu.wait_indirect_dma semaphore(%arg8 : memref<!tpu.dma_semaphore, #tpu.memory_space<semaphore_mem>>) src(%dma_wait3A_200 : memref<32000x3200xf32, #tpu.memory_space<hbm>>) dst(%dma_wait3A_195 : memref<8x3200xf32, #tpu.memory_space<vmem>>)
    %multiple_of3A_201 = arith.constant 256 : i32
    %multiple_of3A_202 = tpu.assume_multiple %multiple_of3A_201, 8 : i32
    %add3A_203 = arith.addi %mul3A_2, %multiple_of3A_202 : i32
    %dma_start3A_204 = arith.constant 0 : i32
    %dma_start3A_205 = arith.constant 0 : i32
    %dma_start3A_206 = arith.constant 0 : i32
    %dma_start3A_207 = tpu.memref_slice %arg6[%dma_start3A_204, %dma_start3A_205, %dma_start3A_206] : memref<2x8x3200xf32, #tpu.memory_space<vmem>> -> memref<1x8x3200xf32, #tpu.memory_space<vmem>>
    %dma_start3A_208 = tpu.memref_squeeze %dma_start3A_207 : memref<1x8x3200xf32, #tpu.memory_space<vmem>> -> memref<8x3200xf32, #tpu.memory_space<vmem>>
    %dma_start3A_209 = arith.constant 0 : i32
    %dma_start3A_210 = tpu.memref_slice %arg4[%add3A_203, %dma_start3A_209] : memref<16384x3200xf32, #tpu.memory_space<hbm>> -> memref<8x3200xf32, #tpu.memory_space<hbm>>
    %dma_start3A_211 = arith.constant 0 : i32
    %dma_start3A_212 = tpu.memref_slice %arg4[%add3A_203, %dma_start3A_211] : memref<16384x3200xf32, #tpu.memory_space<hbm>> -> memref<8x3200xf32, #tpu.memory_space<hbm>>
    %dma_start3A_213 = arith.constant 0 : i32
    %dma_start3A_214 = arith.constant 0 : i32
    %dma_start3A_215 = tpu.memref_slice %arg6[%dma_start3A_204, %dma_start3A_213, %dma_start3A_214] : memref<2x8x3200xf32, #tpu.memory_space<vmem>> -> memref<1x8x3200xf32, #tpu.memory_space<vmem>>
    %dma_start3A_216 = tpu.memref_squeeze %dma_start3A_215 : memref<1x8x3200xf32, #tpu.memory_space<vmem>> -> memref<8x3200xf32, #tpu.memory_space<vmem>>
    tpu.enqueue_dma source(%dma_start3A_216 : memref<8x3200xf32, #tpu.memory_space<vmem>>) target(%dma_start3A_212 : memref<8x3200xf32, #tpu.memory_space<hbm>>) target_semaphore(%arg10 : memref<!tpu.dma_semaphore, #tpu.memory_space<semaphore_mem>>)
    %scan3A = arith.constant 0 : i32
    %scan3A_217 = arith.constant 15 : i32
    %scan3A_218 = arith.addi %scan3A, %scan3A_217 : i32
    %scan3A_219 = arith.constant 1 : i32
    scf.for %scan3A_305 = %scan3A to %scan3A_218 step %scan3A_219  : i32 {
      %mul3A_306 = arith.constant 1 : i32
      %mul3A_307 = arith.muli %scan3A_305, %mul3A_306 : i32
      %add3A_308 = arith.constant 0 : i32
      %add3A_309 = arith.addi %add3A_308, %mul3A_307 : i32
      %mul3A_310 = arith.constant 2 : i32
      %mul3A_311 = arith.muli %mul3A_310, %add3A_309 : i32
      %add3A_312 = arith.constant 1 : i32
      %add3A_313 = arith.addi %add3A_312, %mul3A_311 : i32
      %add3A_314 = arith.constant 0 : i32
      %add3A_315 = arith.addi %add3A_313, %add3A_314 : i32
      %dma_wait3A_316 = arith.constant 0 : i32
      %dma_wait3A_317 = arith.constant 0 : i32
      %dma_wait3A_318 = arith.constant 0 : i32
      %dma_wait3A_319 = tpu.memref_slice %arg6[%dma_wait3A_316, %dma_wait3A_317, %dma_wait3A_318] : memref<2x8x3200xf32, #tpu.memory_space<vmem>> -> memref<1x8x3200xf32, #tpu.memory_space<vmem>>
      %dma_wait3A_320 = tpu.memref_squeeze %dma_wait3A_319 : memref<1x8x3200xf32, #tpu.memory_space<vmem>> -> memref<8x3200xf32, #tpu.memory_space<vmem>>
      %dma_wait3A_321 = arith.constant 0 : i32
      %dma_wait3A_322 = tpu.memref_slice %arg4[%mul3A_2, %dma_wait3A_321] : memref<16384x3200xf32, #tpu.memory_space<hbm>> -> memref<8x3200xf32, #tpu.memory_space<hbm>>
      %dma_wait3A_323 = arith.constant 0 : i32
      %dma_wait3A_324 = tpu.memref_slice %arg4[%mul3A_2, %dma_wait3A_323] : memref<16384x3200xf32, #tpu.memory_space<hbm>> -> memref<8x3200xf32, #tpu.memory_space<hbm>>
      %dma_wait3A_325 = arith.constant 0 : i32
      %dma_wait3A_326 = arith.constant 0 : i32
      %dma_wait3A_327 = tpu.memref_slice %arg6[%dma_wait3A_316, %dma_wait3A_325, %dma_wait3A_326] : memref<2x8x3200xf32, #tpu.memory_space<vmem>> -> memref<1x8x3200xf32, #tpu.memory_space<vmem>>
      %dma_wait3A_328 = tpu.memref_squeeze %dma_wait3A_327 : memref<1x8x3200xf32, #tpu.memory_space<vmem>> -> memref<8x3200xf32, #tpu.memory_space<vmem>>
      tpu.wait_dma2 semaphore(%arg10 : memref<!tpu.dma_semaphore, #tpu.memory_space<semaphore_mem>>) src(%dma_wait3A_328 : memref<8x3200xf32, #tpu.memory_space<vmem>>) dst(%dma_wait3A_324 : memref<8x3200xf32, #tpu.memory_space<hbm>>)
      %add3A_329 = arith.constant 1 : i32
      %add3A_330 = arith.addi %add3A_315, %add3A_329 : i32
      %mul3A_331 = arith.constant 8 : i32
      %mul3A_332 = arith.muli %add3A_330, %mul3A_331 : i32
      %add3A_333 = arith.constant 256 : i32
      %add3A_334 = arith.addi %add3A_333, %mul3A_332 : i32
      %multiple_of3A_335 = tpu.assume_multiple %add3A_334, 8 : i32
      %dma_start3A_336 = arith.constant 0 : i32
      %dma_start3A_337 = arith.constant 0 : i32
      %dma_start3A_338 = arith.constant 0 : i32
      %dma_start3A_339 = tpu.memref_slice %arg6[%dma_start3A_336, %dma_start3A_337, %dma_start3A_338] : memref<2x8x3200xf32, #tpu.memory_space<vmem>> -> memref<1x8x3200xf32, #tpu.memory_space<vmem>>
      %dma_start3A_340 = tpu.memref_squeeze %dma_start3A_339 : memref<1x8x3200xf32, #tpu.memory_space<vmem>> -> memref<8x3200xf32, #tpu.memory_space<vmem>>
      %dma_start3A_341 = tpu.memref_slice %arg5[%multiple_of3A_335] : memref<512xi32, #tpu.memory_space<vmem>> -> memref<8xi32, #tpu.memory_space<vmem>>
      %dma_start3A_342 = arith.constant 0 : i32
      %dma_start3A_343 = arith.constant 0 : i32
      %dma_start3A_344 = tpu.memref_slice %arg3[%dma_start3A_342, %dma_start3A_343] : memref<32000x3200xf32, #tpu.memory_space<hbm>> -> memref<32000x3200xf32, #tpu.memory_space<hbm>>
      tpu.enqueue_indirect_dma source(%dma_start3A_344 : memref<32000x3200xf32, #tpu.memory_space<hbm>>) target(%dma_start3A_340 : memref<8x3200xf32, #tpu.memory_space<vmem>>) offsets(%dma_start3A_341 : memref<8xi32, #tpu.memory_space<vmem>>) semaphore(%arg8 : memref<!tpu.dma_semaphore, #tpu.memory_space<semaphore_mem>>)
      %dma_wait3A_345 = arith.constant 1 : i32
      %dma_wait3A_346 = arith.constant 0 : i32
      %dma_wait3A_347 = arith.constant 0 : i32
      %dma_wait3A_348 = tpu.memref_slice %arg6[%dma_wait3A_345, %dma_wait3A_346, %dma_wait3A_347] : memref<2x8x3200xf32, #tpu.memory_space<vmem>> -> memref<1x8x3200xf32, #tpu.memory_space<vmem>>
      %dma_wait3A_349 = tpu.memref_squeeze %dma_wait3A_348 : memref<1x8x3200xf32, #tpu.memory_space<vmem>> -> memref<8x3200xf32, #tpu.memory_space<vmem>>
      %dma_wait3A_350 = arith.constant 0 : i32
      %dma_wait3A_351 = tpu.memref_slice %arg5[%dma_wait3A_350] : memref<512xi32, #tpu.memory_space<vmem>> -> memref<8xi32, #tpu.memory_space<vmem>>
      %dma_wait3A_352 = arith.constant 0 : i32
      %dma_wait3A_353 = arith.constant 0 : i32
      %dma_wait3A_354 = tpu.memref_slice %arg3[%dma_wait3A_352, %dma_wait3A_353] : memref<32000x3200xf32, #tpu.memory_space<hbm>> -> memref<32000x3200xf32, #tpu.memory_space<hbm>>
      tpu.wait_indirect_dma semaphore(%arg9 : memref<!tpu.dma_semaphore, #tpu.memory_space<semaphore_mem>>) src(%dma_wait3A_354 : memref<32000x3200xf32, #tpu.memory_space<hbm>>) dst(%dma_wait3A_349 : memref<8x3200xf32, #tpu.memory_space<vmem>>)
      %mul3A_355 = arith.constant 8 : i32
      %mul3A_356 = arith.muli %add3A_315, %mul3A_355 : i32
      %add3A_357 = arith.constant 256 : i32
      %add3A_358 = arith.addi %add3A_357, %mul3A_356 : i32
      %multiple_of3A_359 = tpu.assume_multiple %add3A_358, 8 : i32
      %add3A_360 = arith.addi %mul3A_2, %multiple_of3A_359 : i32
      %dma_start3A_361 = arith.constant 1 : i32
      %dma_start3A_362 = arith.constant 0 : i32
      %dma_start3A_363 = arith.constant 0 : i32
      %dma_start3A_364 = tpu.memref_slice %arg6[%dma_start3A_361, %dma_start3A_362, %dma_start3A_363] : memref<2x8x3200xf32, #tpu.memory_space<vmem>> -> memref<1x8x3200xf32, #tpu.memory_space<vmem>>
      %dma_start3A_365 = tpu.memref_squeeze %dma_start3A_364 : memref<1x8x3200xf32, #tpu.memory_space<vmem>> -> memref<8x3200xf32, #tpu.memory_space<vmem>>
      %dma_start3A_366 = arith.constant 0 : i32
      %dma_start3A_367 = tpu.memref_slice %arg4[%add3A_360, %dma_start3A_366] : memref<16384x3200xf32, #tpu.memory_space<hbm>> -> memref<8x3200xf32, #tpu.memory_space<hbm>>
      %dma_start3A_368 = arith.constant 0 : i32
      %dma_start3A_369 = tpu.memref_slice %arg4[%add3A_360, %dma_start3A_368] : memref<16384x3200xf32, #tpu.memory_space<hbm>> -> memref<8x3200xf32, #tpu.memory_space<hbm>>
      %dma_start3A_370 = arith.constant 0 : i32
      %dma_start3A_371 = arith.constant 0 : i32
      %dma_start3A_372 = tpu.memref_slice %arg6[%dma_start3A_361, %dma_start3A_370, %dma_start3A_371] : memref<2x8x3200xf32, #tpu.memory_space<vmem>> -> memref<1x8x3200xf32, #tpu.memory_space<vmem>>
      %dma_start3A_373 = tpu.memref_squeeze %dma_start3A_372 : memref<1x8x3200xf32, #tpu.memory_space<vmem>> -> memref<8x3200xf32, #tpu.memory_space<vmem>>
      tpu.enqueue_dma source(%dma_start3A_373 : memref<8x3200xf32, #tpu.memory_space<vmem>>) target(%dma_start3A_369 : memref<8x3200xf32, #tpu.memory_space<hbm>>) target_semaphore(%arg11 : memref<!tpu.dma_semaphore, #tpu.memory_space<semaphore_mem>>)
      %mul3A_374 = arith.constant 2 : i32
      %mul3A_375 = arith.muli %mul3A_374, %add3A_309 : i32
      %add3A_376 = arith.constant 1 : i32
      %add3A_377 = arith.addi %add3A_376, %mul3A_375 : i32
      %add3A_378 = arith.constant 0 : i32
      %add3A_379 = arith.addi %add3A_377, %add3A_378 : i32
      %dma_wait3A_380 = arith.constant 0 : i32
      %dma_wait3A_381 = arith.constant 0 : i32
      %dma_wait3A_382 = tpu.memref_slice %arg4[%mul3A_2, %dma_wait3A_381] : memref<16384x3200xf32, #tpu.memory_space<hbm>> -> memref<8x3200xf32, #tpu.memory_space<hbm>>
      %dma_wait3A_383 = arith.constant 0 : i32
      %dma_wait3A_384 = arith.constant 0 : i32
      %dma_wait3A_385 = tpu.memref_slice %arg7[%arg1, %dma_wait3A_380, %dma_wait3A_383, %dma_wait3A_384] : memref<16x2x8x3200xf32, #tpu.memory_space<vmem_shared>> -> memref<1x1x8x3200xf32, #tpu.memory_space<vmem_shared>>
      %dma_wait3A_386 = tpu.memref_squeeze %dma_wait3A_385 : memref<1x1x8x3200xf32, #tpu.memory_space<vmem_shared>> -> memref<8x3200xf32, #tpu.memory_space<vmem_shared>>
      tpu.wait_dma2 semaphore(%arg14 : memref<!tpu.dma_semaphore, #tpu.memory_space<semaphore_mem>>) src(%dma_wait3A_386 : memref<8x3200xf32, #tpu.memory_space<vmem_shared>>) dst(%dma_wait3A_382 : memref<8x3200xf32, #tpu.memory_space<hbm>>)
      %add3A_387 = arith.constant 1 : i32
      %add3A_388 = arith.addi %add3A_379, %add3A_387 : i32
      %mul3A_389 = arith.constant 8 : i32
      %mul3A_390 = arith.muli %add3A_388, %mul3A_389 : i32
      %multiple_of3A_391 = tpu.assume_multiple %mul3A_390, 8 : i32
      %get3A_392 = arith.index_cast %multiple_of3A_391 : i32 to index
      %get3A_393 = tpu.vector_load %arg5[%get3A_392] {strides = array<i32>} : memref<512xi32, #tpu.memory_space<vmem>>, vector<8xi32>,
      %get3A_394 = vector.shape_cast %get3A_393 : vector<8xi32> to vector<8xi32>
      %slice3A_395 = vector.extract_strided_slice %get3A_394 {offsets = [0], sizes = [1], strides = [1]} : vector<8xi32> to vector<1xi32>
      %squeeze3A_396 = vector.extract %slice3A_395[0] : i32 from vector<1xi32>
      %dma_start3A_397 = arith.constant 0 : i32
      %dma_start3A_398 = arith.constant 0 : i32
      %dma_start3A_399 = arith.constant 0 : i32
      %dma_start3A_400 = tpu.memref_slice %arg7[%arg1, %dma_start3A_397, %dma_start3A_398, %dma_start3A_399] : memref<16x2x8x3200xf32, #tpu.memory_space<vmem_shared>> -> memref<1x1x1x3200xf32, #tpu.memory_space<vmem_shared>>
      %dma_start3A_401 = tpu.memref_squeeze %dma_start3A_400 : memref<1x1x1x3200xf32, #tpu.memory_space<vmem_shared>> -> memref<1x3200xf32, #tpu.memory_space<vmem_shared>>
      %dma_start3A_402 = arith.constant 0 : i32
      %dma_start3A_403 = tpu.memref_slice %arg3[%squeeze3A_396, %dma_start3A_402] : memref<32000x3200xf32, #tpu.memory_space<hbm>> -> memref<1x3200xf32, #tpu.memory_space<hbm>>
      tpu.enqueue_dma source(%dma_start3A_403 : memref<1x3200xf32, #tpu.memory_space<hbm>>) target(%dma_start3A_401 : memref<1x3200xf32, #tpu.memory_space<vmem_shared>>) target_semaphore(%arg12 : memref<!tpu.dma_semaphore, #tpu.memory_space<semaphore_mem>>)
      %slice3A_404 = vector.extract_strided_slice %get3A_394 {offsets = [1], sizes = [1], strides = [1]} : vector<8xi32> to vector<1xi32>
      %squeeze3A_405 = vector.extract %slice3A_404[0] : i32 from vector<1xi32>
      %dma_start3A_406 = arith.constant 0 : i32
      %dma_start3A_407 = arith.constant 1 : i32
      %dma_start3A_408 = arith.constant 0 : i32
      %dma_start3A_409 = tpu.memref_slice %arg7[%arg1, %dma_start3A_406, %dma_start3A_407, %dma_start3A_408] : memref<16x2x8x3200xf32, #tpu.memory_space<vmem_shared>> -> memref<1x1x1x3200xf32, #tpu.memory_space<vmem_shared>>
      %dma_start3A_410 = tpu.memref_squeeze %dma_start3A_409 : memref<1x1x1x3200xf32, #tpu.memory_space<vmem_shared>> -> memref<1x3200xf32, #tpu.memory_space<vmem_shared>>
      %dma_start3A_411 = arith.constant 0 : i32
      %dma_start3A_412 = tpu.memref_slice %arg3[%squeeze3A_405, %dma_start3A_411] : memref<32000x3200xf32, #tpu.memory_space<hbm>> -> memref<1x3200xf32, #tpu.memory_space<hbm>>
      tpu.enqueue_dma source(%dma_start3A_412 : memref<1x3200xf32, #tpu.memory_space<hbm>>) target(%dma_start3A_410 : memref<1x3200xf32, #tpu.memory_space<vmem_shared>>) target_semaphore(%arg12 : memref<!tpu.dma_semaphore, #tpu.memory_space<semaphore_mem>>)
      %slice3A_413 = vector.extract_strided_slice %get3A_394 {offsets = [2], sizes = [1], strides = [1]} : vector<8xi32> to vector<1xi32>
      %squeeze3A_414 = vector.extract %slice3A_413[0] : i32 from vector<1xi32>
      %dma_start3A_415 = arith.constant 0 : i32
      %dma_start3A_416 = arith.constant 2 : i32
      %dma_start3A_417 = arith.constant 0 : i32
      %dma_start3A_418 = tpu.memref_slice %arg7[%arg1, %dma_start3A_415, %dma_start3A_416, %dma_start3A_417] : memref<16x2x8x3200xf32, #tpu.memory_space<vmem_shared>> -> memref<1x1x1x3200xf32, #tpu.memory_space<vmem_shared>>
      %dma_start3A_419 = tpu.memref_squeeze %dma_start3A_418 : memref<1x1x1x3200xf32, #tpu.memory_space<vmem_shared>> -> memref<1x3200xf32, #tpu.memory_space<vmem_shared>>
      %dma_start3A_420 = arith.constant 0 : i32
      %dma_start3A_421 = tpu.memref_slice %arg3[%squeeze3A_414, %dma_start3A_420] : memref<32000x3200xf32, #tpu.memory_space<hbm>> -> memref<1x3200xf32, #tpu.memory_space<hbm>>
      tpu.enqueue_dma source(%dma_start3A_421 : memref<1x3200xf32, #tpu.memory_space<hbm>>) target(%dma_start3A_419 : memref<1x3200xf32, #tpu.memory_space<vmem_shared>>) target_semaphore(%arg12 : memref<!tpu.dma_semaphore, #tpu.memory_space<semaphore_mem>>)
      %slice3A_422 = vector.extract_strided_slice %get3A_394 {offsets = [3], sizes = [1], strides = [1]} : vector<8xi32> to vector<1xi32>
      %squeeze3A_423 = vector.extract %slice3A_422[0] : i32 from vector<1xi32>
      %dma_start3A_424 = arith.constant 0 : i32
      %dma_start3A_425 = arith.constant 3 : i32
      %dma_start3A_426 = arith.constant 0 : i32
      %dma_start3A_427 = tpu.memref_slice %arg7[%arg1, %dma_start3A_424, %dma_start3A_425, %dma_start3A_426] : memref<16x2x8x3200xf32, #tpu.memory_space<vmem_shared>> -> memref<1x1x1x3200xf32, #tpu.memory_space<vmem_shared>>
      %dma_start3A_428 = tpu.memref_squeeze %dma_start3A_427 : memref<1x1x1x3200xf32, #tpu.memory_space<vmem_shared>> -> memref<1x3200xf32, #tpu.memory_space<vmem_shared>>
      %dma_start3A_429 = arith.constant 0 : i32
      %dma_start3A_430 = tpu.memref_slice %arg3[%squeeze3A_423, %dma_start3A_429] : memref<32000x3200xf32, #tpu.memory_space<hbm>> -> memref<1x3200xf32, #tpu.memory_space<hbm>>
      tpu.enqueue_dma source(%dma_start3A_430 : memref<1x3200xf32, #tpu.memory_space<hbm>>) target(%dma_start3A_428 : memref<1x3200xf32, #tpu.memory_space<vmem_shared>>) target_semaphore(%arg12 : memref<!tpu.dma_semaphore, #tpu.memory_space<semaphore_mem>>)
      %slice3A_431 = vector.extract_strided_slice %get3A_394 {offsets = [4], sizes = [1], strides = [1]} : vector<8xi32> to vector<1xi32>
      %squeeze3A_432 = vector.extract %slice3A_431[0] : i32 from vector<1xi32>
      %dma_start3A_433 = arith.constant 0 : i32
      %dma_start3A_434 = arith.constant 4 : i32
      %dma_start3A_435 = arith.constant 0 : i32
      %dma_start3A_436 = tpu.memref_slice %arg7[%arg1, %dma_start3A_433, %dma_start3A_434, %dma_start3A_435] : memref<16x2x8x3200xf32, #tpu.memory_space<vmem_shared>> -> memref<1x1x1x3200xf32, #tpu.memory_space<vmem_shared>>
      %dma_start3A_437 = tpu.memref_squeeze %dma_start3A_436 : memref<1x1x1x3200xf32, #tpu.memory_space<vmem_shared>> -> memref<1x3200xf32, #tpu.memory_space<vmem_shared>>
      %dma_start3A_438 = arith.constant 0 : i32
      %dma_start3A_439 = tpu.memref_slice %arg3[%squeeze3A_432, %dma_start3A_438] : memref<32000x3200xf32, #tpu.memory_space<hbm>> -> memref<1x3200xf32, #tpu.memory_space<hbm>>
      tpu.enqueue_dma source(%dma_start3A_439 : memref<1x3200xf32, #tpu.memory_space<hbm>>) target(%dma_start3A_437 : memref<1x3200xf32, #tpu.memory_space<vmem_shared>>) target_semaphore(%arg12 : memref<!tpu.dma_semaphore, #tpu.memory_space<semaphore_mem>>)
      %slice3A_440 = vector.extract_strided_slice %get3A_394 {offsets = [5], sizes = [1], strides = [1]} : vector<8xi32> to vector<1xi32>
      %squeeze3A_441 = vector.extract %slice3A_440[0] : i32 from vector<1xi32>
      %dma_start3A_442 = arith.constant 0 : i32
      %dma_start3A_443 = arith.constant 5 : i32
      %dma_start3A_444 = arith.constant 0 : i32
      %dma_start3A_445 = tpu.memref_slice %arg7[%arg1, %dma_start3A_442, %dma_start3A_443, %dma_start3A_444] : memref<16x2x8x3200xf32, #tpu.memory_space<vmem_shared>> -> memref<1x1x1x3200xf32, #tpu.memory_space<vmem_shared>>
      %dma_start3A_446 = tpu.memref_squeeze %dma_start3A_445 : memref<1x1x1x3200xf32, #tpu.memory_space<vmem_shared>> -> memref<1x3200xf32, #tpu.memory_space<vmem_shared>>
      %dma_start3A_447 = arith.constant 0 : i32
      %dma_start3A_448 = tpu.memref_slice %arg3[%squeeze3A_441, %dma_start3A_447] : memref<32000x3200xf32, #tpu.memory_space<hbm>> -> memref<1x3200xf32, #tpu.memory_space<hbm>>
      tpu.enqueue_dma source(%dma_start3A_448 : memref<1x3200xf32, #tpu.memory_space<hbm>>) target(%dma_start3A_446 : memref<1x3200xf32, #tpu.memory_space<vmem_shared>>) target_semaphore(%arg12 : memref<!tpu.dma_semaphore, #tpu.memory_space<semaphore_mem>>)
      %slice3A_449 = vector.extract_strided_slice %get3A_394 {offsets = [6], sizes = [1], strides = [1]} : vector<8xi32> to vector<1xi32>
      %squeeze3A_450 = vector.extract %slice3A_449[0] : i32 from vector<1xi32>
      %dma_start3A_451 = arith.constant 0 : i32
      %dma_start3A_452 = arith.constant 6 : i32
      %dma_start3A_453 = arith.constant 0 : i32
      %dma_start3A_454 = tpu.memref_slice %arg7[%arg1, %dma_start3A_451, %dma_start3A_452, %dma_start3A_453] : memref<16x2x8x3200xf32, #tpu.memory_space<vmem_shared>> -> memref<1x1x1x3200xf32, #tpu.memory_space<vmem_shared>>
      %dma_start3A_455 = tpu.memref_squeeze %dma_start3A_454 : memref<1x1x1x3200xf32, #tpu.memory_space<vmem_shared>> -> memref<1x3200xf32, #tpu.memory_space<vmem_shared>>
      %dma_start3A_456 = arith.constant 0 : i32
      %dma_start3A_457 = tpu.memref_slice %arg3[%squeeze3A_450, %dma_start3A_456] : memref<32000x3200xf32, #tpu.memory_space<hbm>> -> memref<1x3200xf32, #tpu.memory_space<hbm>>
      tpu.enqueue_dma source(%dma_start3A_457 : memref<1x3200xf32, #tpu.memory_space<hbm>>) target(%dma_start3A_455 : memref<1x3200xf32, #tpu.memory_space<vmem_shared>>) target_semaphore(%arg12 : memref<!tpu.dma_semaphore, #tpu.memory_space<semaphore_mem>>)
      %slice3A_458 = vector.extract_strided_slice %get3A_394 {offsets = [7], sizes = [1], strides = [1]} : vector<8xi32> to vector<1xi32>
      %squeeze3A_459 = vector.extract %slice3A_458[0] : i32 from vector<1xi32>
      %dma_start3A_460 = arith.constant 0 : i32
      %dma_start3A_461 = arith.constant 7 : i32
      %dma_start3A_462 = arith.constant 0 : i32
      %dma_start3A_463 = tpu.memref_slice %arg7[%arg1, %dma_start3A_460, %dma_start3A_461, %dma_start3A_462] : memref<16x2x8x3200xf32, #tpu.memory_space<vmem_shared>> -> memref<1x1x1x3200xf32, #tpu.memory_space<vmem_shared>>
      %dma_start3A_464 = tpu.memref_squeeze %dma_start3A_463 : memref<1x1x1x3200xf32, #tpu.memory_space<vmem_shared>> -> memref<1x3200xf32, #tpu.memory_space<vmem_shared>>
      %dma_start3A_465 = arith.constant 0 : i32
      %dma_start3A_466 = tpu.memref_slice %arg3[%squeeze3A_459, %dma_start3A_465] : memref<32000x3200xf32, #tpu.memory_space<hbm>> -> memref<1x3200xf32, #tpu.memory_space<hbm>>
      tpu.enqueue_dma source(%dma_start3A_466 : memref<1x3200xf32, #tpu.memory_space<hbm>>) target(%dma_start3A_464 : memref<1x3200xf32, #tpu.memory_space<vmem_shared>>) target_semaphore(%arg12 : memref<!tpu.dma_semaphore, #tpu.memory_space<semaphore_mem>>)
      %dma_wait3A_467 = arith.constant 1 : i32
      %dma_wait3A_468 = arith.constant 0 : i32
      %dma_wait3A_469 = arith.constant 0 : i32
      %dma_wait3A_470 = tpu.memref_slice %arg7[%arg1, %dma_wait3A_467, %dma_wait3A_468, %dma_wait3A_469] : memref<16x2x8x3200xf32, #tpu.memory_space<vmem_shared>> -> memref<1x1x8x3200xf32, #tpu.memory_space<vmem_shared>>
      %dma_wait3A_471 = tpu.memref_squeeze %dma_wait3A_470 : memref<1x1x8x3200xf32, #tpu.memory_space<vmem_shared>> -> memref<8x3200xf32, #tpu.memory_space<vmem_shared>>
      %dma_wait3A_472 = arith.constant 0 : i32
      %dma_wait3A_473 = arith.constant 0 : i32
      %dma_wait3A_474 = tpu.memref_slice %arg3[%dma_wait3A_472, %dma_wait3A_473] : memref<32000x3200xf32, #tpu.memory_space<hbm>> -> memref<8x3200xf32, #tpu.memory_space<hbm>>
      tpu.wait_dma2 semaphore(%arg13 : memref<!tpu.dma_semaphore, #tpu.memory_space<semaphore_mem>>) src(%dma_wait3A_474 : memref<8x3200xf32, #tpu.memory_space<hbm>>) dst(%dma_wait3A_471 : memref<8x3200xf32, #tpu.memory_space<vmem_shared>>)
      %mul3A_475 = arith.constant 8 : i32
      %mul3A_476 = arith.muli %add3A_379, %mul3A_475 : i32
      %multiple_of3A_477 = tpu.assume_multiple %mul3A_476, 8 : i32
      %add3A_478 = arith.addi %mul3A_2, %multiple_of3A_477 : i32
      %dma_start3A_479 = arith.constant 1 : i32
      %dma_start3A_480 = arith.constant 0 : i32
      %dma_start3A_481 = tpu.memref_slice %arg4[%add3A_478, %dma_start3A_480] : memref<16384x3200xf32, #tpu.memory_space<hbm>> -> memref<8x3200xf32, #tpu.memory_space<hbm>>
      %dma_start3A_482 = arith.constant 0 : i32
      %dma_start3A_483 = arith.constant 0 : i32
      %dma_start3A_484 = tpu.memref_slice %arg7[%arg1, %dma_start3A_479, %dma_start3A_482, %dma_start3A_483] : memref<16x2x8x3200xf32, #tpu.memory_space<vmem_shared>> -> memref<1x1x8x3200xf32, #tpu.memory_space<vmem_shared>>
      %dma_start3A_485 = tpu.memref_squeeze %dma_start3A_484 : memref<1x1x8x3200xf32, #tpu.memory_space<vmem_shared>> -> memref<8x3200xf32, #tpu.memory_space<vmem_shared>>
      tpu.enqueue_dma source(%dma_start3A_485 : memref<8x3200xf32, #tpu.memory_space<vmem_shared>>) target(%dma_start3A_481 : memref<8x3200xf32, #tpu.memory_space<hbm>>) target_semaphore(%arg15 : memref<!tpu.dma_semaphore, #tpu.memory_space<semaphore_mem>>)
      %mul3A_486 = arith.constant 2 : i32
      %mul3A_487 = arith.muli %mul3A_486, %add3A_309 : i32
      %add3A_488 = arith.constant 1 : i32
      %add3A_489 = arith.addi %add3A_488, %mul3A_487 : i32
      %add3A_490 = arith.constant 1 : i32
      %add3A_491 = arith.addi %add3A_489, %add3A_490 : i32
      %dma_wait3A_492 = arith.constant 1 : i32
      %dma_wait3A_493 = arith.constant 0 : i32
      %dma_wait3A_494 = arith.constant 0 : i32
      %dma_wait3A_495 = tpu.memref_slice %arg6[%dma_wait3A_492, %dma_wait3A_493, %dma_wait3A_494] : memref<2x8x3200xf32, #tpu.memory_space<vmem>> -> memref<1x8x3200xf32, #tpu.memory_space<vmem>>
      %dma_wait3A_496 = tpu.memref_squeeze %dma_wait3A_495 : memref<1x8x3200xf32, #tpu.memory_space<vmem>> -> memref<8x3200xf32, #tpu.memory_space<vmem>>
      %dma_wait3A_497 = arith.constant 0 : i32
      %dma_wait3A_498 = tpu.memref_slice %arg4[%mul3A_2, %dma_wait3A_497] : memref<16384x3200xf32, #tpu.memory_space<hbm>> -> memref<8x3200xf32, #tpu.memory_space<hbm>>
      %dma_wait3A_499 = arith.constant 0 : i32
      %dma_wait3A_500 = tpu.memref_slice %arg4[%mul3A_2, %dma_wait3A_499] : memref<16384x3200xf32, #tpu.memory_space<hbm>> -> memref<8x3200xf32, #tpu.memory_space<hbm>>
      %dma_wait3A_501 = arith.constant 0 : i32
      %dma_wait3A_502 = arith.constant 0 : i32
      %dma_wait3A_503 = tpu.memref_slice %arg6[%dma_wait3A_492, %dma_wait3A_501, %dma_wait3A_502] : memref<2x8x3200xf32, #tpu.memory_space<vmem>> -> memref<1x8x3200xf32, #tpu.memory_space<vmem>>
      %dma_wait3A_504 = tpu.memref_squeeze %dma_wait3A_503 : memref<1x8x3200xf32, #tpu.memory_space<vmem>> -> memref<8x3200xf32, #tpu.memory_space<vmem>>
      tpu.wait_dma2 semaphore(%arg11 : memref<!tpu.dma_semaphore, #tpu.memory_space<semaphore_mem>>) src(%dma_wait3A_504 : memref<8x3200xf32, #tpu.memory_space<vmem>>) dst(%dma_wait3A_500 : memref<8x3200xf32, #tpu.memory_space<hbm>>)
      %add3A_505 = arith.constant 1 : i32
      %add3A_506 = arith.addi %add3A_491, %add3A_505 : i32
      %mul3A_507 = arith.constant 8 : i32
      %mul3A_508 = arith.muli %add3A_506, %mul3A_507 : i32
      %add3A_509 = arith.constant 256 : i32
      %add3A_510 = arith.addi %add3A_509, %mul3A_508 : i32
      %multiple_of3A_511 = tpu.assume_multiple %add3A_510, 8 : i32
      %dma_start3A_512 = arith.constant 1 : i32
      %dma_start3A_513 = arith.constant 0 : i32
      %dma_start3A_514 = arith.constant 0 : i32
      %dma_start3A_515 = tpu.memref_slice %arg6[%dma_start3A_512, %dma_start3A_513, %dma_start3A_514] : memref<2x8x3200xf32, #tpu.memory_space<vmem>> -> memref<1x8x3200xf32, #tpu.memory_space<vmem>>
      %dma_start3A_516 = tpu.memref_squeeze %dma_start3A_515 : memref<1x8x3200xf32, #tpu.memory_space<vmem>> -> memref<8x3200xf32, #tpu.memory_space<vmem>>
      %dma_start3A_517 = tpu.memref_slice %arg5[%multiple_of3A_511] : memref<512xi32, #tpu.memory_space<vmem>> -> memref<8xi32, #tpu.memory_space<vmem>>
      %dma_start3A_518 = arith.constant 0 : i32
      %dma_start3A_519 = arith.constant 0 : i32
      %dma_start3A_520 = tpu.memref_slice %arg3[%dma_start3A_518, %dma_start3A_519] : memref<32000x3200xf32, #tpu.memory_space<hbm>> -> memref<32000x3200xf32, #tpu.memory_space<hbm>>
      tpu.enqueue_indirect_dma source(%dma_start3A_520 : memref<32000x3200xf32, #tpu.memory_space<hbm>>) target(%dma_start3A_516 : memref<8x3200xf32, #tpu.memory_space<vmem>>) offsets(%dma_start3A_517 : memref<8xi32, #tpu.memory_space<vmem>>) semaphore(%arg9 : memref<!tpu.dma_semaphore, #tpu.memory_space<semaphore_mem>>)
      %dma_wait3A_521 = arith.constant 0 : i32
      %dma_wait3A_522 = arith.constant 0 : i32
      %dma_wait3A_523 = arith.constant 0 : i32
      %dma_wait3A_524 = tpu.memref_slice %arg6[%dma_wait3A_521, %dma_wait3A_522, %dma_wait3A_523] : memref<2x8x3200xf32, #tpu.memory_space<vmem>> -> memref<1x8x3200xf32, #tpu.memory_space<vmem>>
      %dma_wait3A_525 = tpu.memref_squeeze %dma_wait3A_524 : memref<1x8x3200xf32, #tpu.memory_space<vmem>> -> memref<8x3200xf32, #tpu.memory_space<vmem>>
      %dma_wait3A_526 = arith.constant 0 : i32
      %dma_wait3A_527 = tpu.memref_slice %arg5[%dma_wait3A_526] : memref<512xi32, #tpu.memory_space<vmem>> -> memref<8xi32, #tpu.memory_space<vmem>>
      %dma_wait3A_528 = arith.constant 0 : i32
      %dma_wait3A_529 = arith.constant 0 : i32
      %dma_wait3A_530 = tpu.memref_slice %arg3[%dma_wait3A_528, %dma_wait3A_529] : memref<32000x3200xf32, #tpu.memory_space<hbm>> -> memref<32000x3200xf32, #tpu.memory_space<hbm>>
      tpu.wait_indirect_dma semaphore(%arg8 : memref<!tpu.dma_semaphore, #tpu.memory_space<semaphore_mem>>) src(%dma_wait3A_530 : memref<32000x3200xf32, #tpu.memory_space<hbm>>) dst(%dma_wait3A_525 : memref<8x3200xf32, #tpu.memory_space<vmem>>)
      %mul3A_531 = arith.constant 8 : i32
      %mul3A_532 = arith.muli %add3A_491, %mul3A_531 : i32
      %add3A_533 = arith.constant 256 : i32
      %add3A_534 = arith.addi %add3A_533, %mul3A_532 : i32
      %multiple_of3A_535 = tpu.assume_multiple %add3A_534, 8 : i32
      %add3A_536 = arith.addi %mul3A_2, %multiple_of3A_535 : i32
      %dma_start3A_537 = arith.constant 0 : i32
      %dma_start3A_538 = arith.constant 0 : i32
      %dma_start3A_539 = arith.constant 0 : i32
      %dma_start3A_540 = tpu.memref_slice %arg6[%dma_start3A_537, %dma_start3A_538, %dma_start3A_539] : memref<2x8x3200xf32, #tpu.memory_space<vmem>> -> memref<1x8x3200xf32, #tpu.memory_space<vmem>>
      %dma_start3A_541 = tpu.memref_squeeze %dma_start3A_540 : memref<1x8x3200xf32, #tpu.memory_space<vmem>> -> memref<8x3200xf32, #tpu.memory_space<vmem>>
      %dma_start3A_542 = arith.constant 0 : i32
      %dma_start3A_543 = tpu.memref_slice %arg4[%add3A_536, %dma_start3A_542] : memref<16384x3200xf32, #tpu.memory_space<hbm>> -> memref<8x3200xf32, #tpu.memory_space<hbm>>
      %dma_start3A_544 = arith.constant 0 : i32
      %dma_start3A_545 = tpu.memref_slice %arg4[%add3A_536, %dma_start3A_544] : memref<16384x3200xf32, #tpu.memory_space<hbm>> -> memref<8x3200xf32, #tpu.memory_space<hbm>>
      %dma_start3A_546 = arith.constant 0 : i32
      %dma_start3A_547 = arith.constant 0 : i32
      %dma_start3A_548 = tpu.memref_slice %arg6[%dma_start3A_537, %dma_start3A_546, %dma_start3A_547] : memref<2x8x3200xf32, #tpu.memory_space<vmem>> -> memref<1x8x3200xf32, #tpu.memory_space<vmem>>
      %dma_start3A_549 = tpu.memref_squeeze %dma_start3A_548 : memref<1x8x3200xf32, #tpu.memory_space<vmem>> -> memref<8x3200xf32, #tpu.memory_space<vmem>>
      tpu.enqueue_dma source(%dma_start3A_549 : memref<8x3200xf32, #tpu.memory_space<vmem>>) target(%dma_start3A_545 : memref<8x3200xf32, #tpu.memory_space<hbm>>) target_semaphore(%arg10 : memref<!tpu.dma_semaphore, #tpu.memory_space<semaphore_mem>>)
      %mul3A_550 = arith.constant 2 : i32
      %mul3A_551 = arith.muli %mul3A_550, %add3A_309 : i32
      %add3A_552 = arith.constant 1 : i32
      %add3A_553 = arith.addi %add3A_552, %mul3A_551 : i32
      %add3A_554 = arith.constant 1 : i32
      %add3A_555 = arith.addi %add3A_553, %add3A_554 : i32
      %dma_wait3A_556 = arith.constant 0 : i32
      %dma_wait3A_557 = arith.constant 0 : i32
      %dma_wait3A_558 = tpu.memref_slice %arg4[%mul3A_2, %dma_wait3A_557] : memref<16384x3200xf32, #tpu.memory_space<hbm>> -> memref<8x3200xf32, #tpu.memory_space<hbm>>
      %dma_wait3A_559 = arith.constant 0 : i32
      %dma_wait3A_560 = arith.constant 0 : i32
      %dma_wait3A_561 = tpu.memref_slice %arg7[%arg1, %dma_wait3A_556, %dma_wait3A_559, %dma_wait3A_560] : memref<16x2x8x3200xf32, #tpu.memory_space<vmem_shared>> -> memref<1x1x8x3200xf32, #tpu.memory_space<vmem_shared>>
      %dma_wait3A_562 = tpu.memref_squeeze %dma_wait3A_561 : memref<1x1x8x3200xf32, #tpu.memory_space<vmem_shared>> -> memref<8x3200xf32, #tpu.memory_space<vmem_shared>>
      tpu.wait_dma2 semaphore(%arg15 : memref<!tpu.dma_semaphore, #tpu.memory_space<semaphore_mem>>) src(%dma_wait3A_562 : memref<8x3200xf32, #tpu.memory_space<vmem_shared>>) dst(%dma_wait3A_558 : memref<8x3200xf32, #tpu.memory_space<hbm>>)
      %add3A_563 = arith.constant 1 : i32
      %add3A_564 = arith.addi %add3A_555, %add3A_563 : i32
      %mul3A_565 = arith.constant 8 : i32
      %mul3A_566 = arith.muli %add3A_564, %mul3A_565 : i32
      %multiple_of3A_567 = tpu.assume_multiple %mul3A_566, 8 : i32
      %get3A_568 = arith.index_cast %multiple_of3A_567 : i32 to index
      %get3A_569 = tpu.vector_load %arg5[%get3A_568] {strides = array<i32>} : memref<512xi32, #tpu.memory_space<vmem>>, vector<8xi32>,
      %get3A_570 = vector.shape_cast %get3A_569 : vector<8xi32> to vector<8xi32>
      %slice3A_571 = vector.extract_strided_slice %get3A_570 {offsets = [0], sizes = [1], strides = [1]} : vector<8xi32> to vector<1xi32>
      %squeeze3A_572 = vector.extract %slice3A_571[0] : i32 from vector<1xi32>
      %dma_start3A_573 = arith.constant 1 : i32
      %dma_start3A_574 = arith.constant 0 : i32
      %dma_start3A_575 = arith.constant 0 : i32
      %dma_start3A_576 = tpu.memref_slice %arg7[%arg1, %dma_start3A_573, %dma_start3A_574, %dma_start3A_575] : memref<16x2x8x3200xf32, #tpu.memory_space<vmem_shared>> -> memref<1x1x1x3200xf32, #tpu.memory_space<vmem_shared>>
      %dma_start3A_577 = tpu.memref_squeeze %dma_start3A_576 : memref<1x1x1x3200xf32, #tpu.memory_space<vmem_shared>> -> memref<1x3200xf32, #tpu.memory_space<vmem_shared>>
      %dma_start3A_578 = arith.constant 0 : i32
      %dma_start3A_579 = tpu.memref_slice %arg3[%squeeze3A_572, %dma_start3A_578] : memref<32000x3200xf32, #tpu.memory_space<hbm>> -> memref<1x3200xf32, #tpu.memory_space<hbm>>
      tpu.enqueue_dma source(%dma_start3A_579 : memref<1x3200xf32, #tpu.memory_space<hbm>>) target(%dma_start3A_577 : memref<1x3200xf32, #tpu.memory_space<vmem_shared>>) target_semaphore(%arg13 : memref<!tpu.dma_semaphore, #tpu.memory_space<semaphore_mem>>)
      %slice3A_580 = vector.extract_strided_slice %get3A_570 {offsets = [1], sizes = [1], strides = [1]} : vector<8xi32> to vector<1xi32>
      %squeeze3A_581 = vector.extract %slice3A_580[0] : i32 from vector<1xi32>
      %dma_start3A_582 = arith.constant 1 : i32
      %dma_start3A_583 = arith.constant 1 : i32
      %dma_start3A_584 = arith.constant 0 : i32
      %dma_start3A_585 = tpu.memref_slice %arg7[%arg1, %dma_start3A_582, %dma_start3A_583, %dma_start3A_584] : memref<16x2x8x3200xf32, #tpu.memory_space<vmem_shared>> -> memref<1x1x1x3200xf32, #tpu.memory_space<vmem_shared>>
      %dma_start3A_586 = tpu.memref_squeeze %dma_start3A_585 : memref<1x1x1x3200xf32, #tpu.memory_space<vmem_shared>> -> memref<1x3200xf32, #tpu.memory_space<vmem_shared>>
      %dma_start3A_587 = arith.constant 0 : i32
      %dma_start3A_588 = tpu.memref_slice %arg3[%squeeze3A_581, %dma_start3A_587] : memref<32000x3200xf32, #tpu.memory_space<hbm>> -> memref<1x3200xf32, #tpu.memory_space<hbm>>
      tpu.enqueue_dma source(%dma_start3A_588 : memref<1x3200xf32, #tpu.memory_space<hbm>>) target(%dma_start3A_586 : memref<1x3200xf32, #tpu.memory_space<vmem_shared>>) target_semaphore(%arg13 : memref<!tpu.dma_semaphore, #tpu.memory_space<semaphore_mem>>)
      %slice3A_589 = vector.extract_strided_slice %get3A_570 {offsets = [2], sizes = [1], strides = [1]} : vector<8xi32> to vector<1xi32>
      %squeeze3A_590 = vector.extract %slice3A_589[0] : i32 from vector<1xi32>
      %dma_start3A_591 = arith.constant 1 : i32
      %dma_start3A_592 = arith.constant 2 : i32
      %dma_start3A_593 = arith.constant 0 : i32
      %dma_start3A_594 = tpu.memref_slice %arg7[%arg1, %dma_start3A_591, %dma_start3A_592, %dma_start3A_593] : memref<16x2x8x3200xf32, #tpu.memory_space<vmem_shared>> -> memref<1x1x1x3200xf32, #tpu.memory_space<vmem_shared>>
      %dma_start3A_595 = tpu.memref_squeeze %dma_start3A_594 : memref<1x1x1x3200xf32, #tpu.memory_space<vmem_shared>> -> memref<1x3200xf32, #tpu.memory_space<vmem_shared>>
      %dma_start3A_596 = arith.constant 0 : i32
      %dma_start3A_597 = tpu.memref_slice %arg3[%squeeze3A_590, %dma_start3A_596] : memref<32000x3200xf32, #tpu.memory_space<hbm>> -> memref<1x3200xf32, #tpu.memory_space<hbm>>
      tpu.enqueue_dma source(%dma_start3A_597 : memref<1x3200xf32, #tpu.memory_space<hbm>>) target(%dma_start3A_595 : memref<1x3200xf32, #tpu.memory_space<vmem_shared>>) target_semaphore(%arg13 : memref<!tpu.dma_semaphore, #tpu.memory_space<semaphore_mem>>)
      %slice3A_598 = vector.extract_strided_slice %get3A_570 {offsets = [3], sizes = [1], strides = [1]} : vector<8xi32> to vector<1xi32>
      %squeeze3A_599 = vector.extract %slice3A_598[0] : i32 from vector<1xi32>
      %dma_start3A_600 = arith.constant 1 : i32
      %dma_start3A_601 = arith.constant 3 : i32
      %dma_start3A_602 = arith.constant 0 : i32
      %dma_start3A_603 = tpu.memref_slice %arg7[%arg1, %dma_start3A_600, %dma_start3A_601, %dma_start3A_602] : memref<16x2x8x3200xf32, #tpu.memory_space<vmem_shared>> -> memref<1x1x1x3200xf32, #tpu.memory_space<vmem_shared>>
      %dma_start3A_604 = tpu.memref_squeeze %dma_start3A_603 : memref<1x1x1x3200xf32, #tpu.memory_space<vmem_shared>> -> memref<1x3200xf32, #tpu.memory_space<vmem_shared>>
      %dma_start3A_605 = arith.constant 0 : i32
      %dma_start3A_606 = tpu.memref_slice %arg3[%squeeze3A_599, %dma_start3A_605] : memref<32000x3200xf32, #tpu.memory_space<hbm>> -> memref<1x3200xf32, #tpu.memory_space<hbm>>
      tpu.enqueue_dma source(%dma_start3A_606 : memref<1x3200xf32, #tpu.memory_space<hbm>>) target(%dma_start3A_604 : memref<1x3200xf32, #tpu.memory_space<vmem_shared>>) target_semaphore(%arg13 : memref<!tpu.dma_semaphore, #tpu.memory_space<semaphore_mem>>)
      %slice3A_607 = vector.extract_strided_slice %get3A_570 {offsets = [4], sizes = [1], strides = [1]} : vector<8xi32> to vector<1xi32>
      %squeeze3A_608 = vector.extract %slice3A_607[0] : i32 from vector<1xi32>
      %dma_start3A_609 = arith.constant 1 : i32
      %dma_start3A_610 = arith.constant 4 : i32
      %dma_start3A_611 = arith.constant 0 : i32
      %dma_start3A_612 = tpu.memref_slice %arg7[%arg1, %dma_start3A_609, %dma_start3A_610, %dma_start3A_611] : memref<16x2x8x3200xf32, #tpu.memory_space<vmem_shared>> -> memref<1x1x1x3200xf32, #tpu.memory_space<vmem_shared>>
      %dma_start3A_613 = tpu.memref_squeeze %dma_start3A_612 : memref<1x1x1x3200xf32, #tpu.memory_space<vmem_shared>> -> memref<1x3200xf32, #tpu.memory_space<vmem_shared>>
      %dma_start3A_614 = arith.constant 0 : i32
      %dma_start3A_615 = tpu.memref_slice %arg3[%squeeze3A_608, %dma_start3A_614] : memref<32000x3200xf32, #tpu.memory_space<hbm>> -> memref<1x3200xf32, #tpu.memory_space<hbm>>
      tpu.enqueue_dma source(%dma_start3A_615 : memref<1x3200xf32, #tpu.memory_space<hbm>>) target(%dma_start3A_613 : memref<1x3200xf32, #tpu.memory_space<vmem_shared>>) target_semaphore(%arg13 : memref<!tpu.dma_semaphore, #tpu.memory_space<semaphore_mem>>)
      %slice3A_616 = vector.extract_strided_slice %get3A_570 {offsets = [5], sizes = [1], strides = [1]} : vector<8xi32> to vector<1xi32>
      %squeeze3A_617 = vector.extract %slice3A_616[0] : i32 from vector<1xi32>
      %dma_start3A_618 = arith.constant 1 : i32
      %dma_start3A_619 = arith.constant 5 : i32
      %dma_start3A_620 = arith.constant 0 : i32
      %dma_start3A_621 = tpu.memref_slice %arg7[%arg1, %dma_start3A_618, %dma_start3A_619, %dma_start3A_620] : memref<16x2x8x3200xf32, #tpu.memory_space<vmem_shared>> -> memref<1x1x1x3200xf32, #tpu.memory_space<vmem_shared>>
      %dma_start3A_622 = tpu.memref_squeeze %dma_start3A_621 : memref<1x1x1x3200xf32, #tpu.memory_space<vmem_shared>> -> memref<1x3200xf32, #tpu.memory_space<vmem_shared>>
      %dma_start3A_623 = arith.constant 0 : i32
      %dma_start3A_624 = tpu.memref_slice %arg3[%squeeze3A_617, %dma_start3A_623] : memref<32000x3200xf32, #tpu.memory_space<hbm>> -> memref<1x3200xf32, #tpu.memory_space<hbm>>
      tpu.enqueue_dma source(%dma_start3A_624 : memref<1x3200xf32, #tpu.memory_space<hbm>>) target(%dma_start3A_622 : memref<1x3200xf32, #tpu.memory_space<vmem_shared>>) target_semaphore(%arg13 : memref<!tpu.dma_semaphore, #tpu.memory_space<semaphore_mem>>)
      %slice3A_625 = vector.extract_strided_slice %get3A_570 {offsets = [6], sizes = [1], strides = [1]} : vector<8xi32> to vector<1xi32>
      %squeeze3A_626 = vector.extract %slice3A_625[0] : i32 from vector<1xi32>
      %dma_start3A_627 = arith.constant 1 : i32
      %dma_start3A_628 = arith.constant 6 : i32
      %dma_start3A_629 = arith.constant 0 : i32
      %dma_start3A_630 = tpu.memref_slice %arg7[%arg1, %dma_start3A_627, %dma_start3A_628, %dma_start3A_629] : memref<16x2x8x3200xf32, #tpu.memory_space<vmem_shared>> -> memref<1x1x1x3200xf32, #tpu.memory_space<vmem_shared>>
      %dma_start3A_631 = tpu.memref_squeeze %dma_start3A_630 : memref<1x1x1x3200xf32, #tpu.memory_space<vmem_shared>> -> memref<1x3200xf32, #tpu.memory_space<vmem_shared>>
      %dma_start3A_632 = arith.constant 0 : i32
      %dma_start3A_633 = tpu.memref_slice %arg3[%squeeze3A_626, %dma_start3A_632] : memref<32000x3200xf32, #tpu.memory_space<hbm>> -> memref<1x3200xf32, #tpu.memory_space<hbm>>
      tpu.enqueue_dma source(%dma_start3A_633 : memref<1x3200xf32, #tpu.memory_space<hbm>>) target(%dma_start3A_631 : memref<1x3200xf32, #tpu.memory_space<vmem_shared>>) target_semaphore(%arg13 : memref<!tpu.dma_semaphore, #tpu.memory_space<semaphore_mem>>)
      %slice3A_634 = vector.extract_strided_slice %get3A_570 {offsets = [7], sizes = [1], strides = [1]} : vector<8xi32> to vector<1xi32>
      %squeeze3A_635 = vector.extract %slice3A_634[0] : i32 from vector<1xi32>
      %dma_start3A_636 = arith.constant 1 : i32
      %dma_start3A_637 = arith.constant 7 : i32
      %dma_start3A_638 = arith.constant 0 : i32
      %dma_start3A_639 = tpu.memref_slice %arg7[%arg1, %dma_start3A_636, %dma_start3A_637, %dma_start3A_638] : memref<16x2x8x3200xf32, #tpu.memory_space<vmem_shared>> -> memref<1x1x1x3200xf32, #tpu.memory_space<vmem_shared>>
      %dma_start3A_640 = tpu.memref_squeeze %dma_start3A_639 : memref<1x1x1x3200xf32, #tpu.memory_space<vmem_shared>> -> memref<1x3200xf32, #tpu.memory_space<vmem_shared>>
      %dma_start3A_641 = arith.constant 0 : i32
      %dma_start3A_642 = tpu.memref_slice %arg3[%squeeze3A_635, %dma_start3A_641] : memref<32000x3200xf32, #tpu.memory_space<hbm>> -> memref<1x3200xf32, #tpu.memory_space<hbm>>
      tpu.enqueue_dma source(%dma_start3A_642 : memref<1x3200xf32, #tpu.memory_space<hbm>>) target(%dma_start3A_640 : memref<1x3200xf32, #tpu.memory_space<vmem_shared>>) target_semaphore(%arg13 : memref<!tpu.dma_semaphore, #tpu.memory_space<semaphore_mem>>)
      %dma_wait3A_643 = arith.constant 0 : i32
      %dma_wait3A_644 = arith.constant 0 : i32
      %dma_wait3A_645 = arith.constant 0 : i32
      %dma_wait3A_646 = tpu.memref_slice %arg7[%arg1, %dma_wait3A_643, %dma_wait3A_644, %dma_wait3A_645] : memref<16x2x8x3200xf32, #tpu.memory_space<vmem_shared>> -> memref<1x1x8x3200xf32, #tpu.memory_space<vmem_shared>>
      %dma_wait3A_647 = tpu.memref_squeeze %dma_wait3A_646 : memref<1x1x8x3200xf32, #tpu.memory_space<vmem_shared>> -> memref<8x3200xf32, #tpu.memory_space<vmem_shared>>
      %dma_wait3A_648 = arith.constant 0 : i32
      %dma_wait3A_649 = arith.constant 0 : i32
      %dma_wait3A_650 = tpu.memref_slice %arg3[%dma_wait3A_648, %dma_wait3A_649] : memref<32000x3200xf32, #tpu.memory_space<hbm>> -> memref<8x3200xf32, #tpu.memory_space<hbm>>
      tpu.wait_dma2 semaphore(%arg12 : memref<!tpu.dma_semaphore, #tpu.memory_space<semaphore_mem>>) src(%dma_wait3A_650 : memref<8x3200xf32, #tpu.memory_space<hbm>>) dst(%dma_wait3A_647 : memref<8x3200xf32, #tpu.memory_space<vmem_shared>>)
      %mul3A_651 = arith.constant 8 : i32
      %mul3A_652 = arith.muli %add3A_555, %mul3A_651 : i32
      %multiple_of3A_653 = tpu.assume_multiple %mul3A_652, 8 : i32
      %add3A_654 = arith.addi %mul3A_2, %multiple_of3A_653 : i32
      %dma_start3A_655 = arith.constant 0 : i32
      %dma_start3A_656 = arith.constant 0 : i32
      %dma_start3A_657 = tpu.memref_slice %arg4[%add3A_654, %dma_start3A_656] : memref<16384x3200xf32, #tpu.memory_space<hbm>> -> memref<8x3200xf32, #tpu.memory_space<hbm>>
      %dma_start3A_658 = arith.constant 0 : i32
      %dma_start3A_659 = arith.constant 0 : i32
      %dma_start3A_660 = tpu.memref_slice %arg7[%arg1, %dma_start3A_655, %dma_start3A_658, %dma_start3A_659] : memref<16x2x8x3200xf32, #tpu.memory_space<vmem_shared>> -> memref<1x1x8x3200xf32, #tpu.memory_space<vmem_shared>>
      %dma_start3A_661 = tpu.memref_squeeze %dma_start3A_660 : memref<1x1x8x3200xf32, #tpu.memory_space<vmem_shared>> -> memref<8x3200xf32, #tpu.memory_space<vmem_shared>>
      tpu.enqueue_dma source(%dma_start3A_661 : memref<8x3200xf32, #tpu.memory_space<vmem_shared>>) target(%dma_start3A_657 : memref<8x3200xf32, #tpu.memory_space<hbm>>) target_semaphore(%arg14 : memref<!tpu.dma_semaphore, #tpu.memory_space<semaphore_mem>>)
    }
    %scan3A_220 = arith.constant 15 : i32
    %dma_wait3A_221 = arith.constant 0 : i32
    %dma_wait3A_222 = arith.constant 0 : i32
    %dma_wait3A_223 = arith.constant 0 : i32
    %dma_wait3A_224 = tpu.memref_slice %arg6[%dma_wait3A_221, %dma_wait3A_222, %dma_wait3A_223] : memref<2x8x3200xf32, #tpu.memory_space<vmem>> -> memref<1x8x3200xf32, #tpu.memory_space<vmem>>
    %dma_wait3A_225 = tpu.memref_squeeze %dma_wait3A_224 : memref<1x8x3200xf32, #tpu.memory_space<vmem>> -> memref<8x3200xf32, #tpu.memory_space<vmem>>
    %dma_wait3A_226 = arith.constant 0 : i32
    %dma_wait3A_227 = tpu.memref_slice %arg4[%mul3A_2, %dma_wait3A_226] : memref<16384x3200xf32, #tpu.memory_space<hbm>> -> memref<8x3200xf32, #tpu.memory_space<hbm>>
    %dma_wait3A_228 = arith.constant 0 : i32
    %dma_wait3A_229 = tpu.memref_slice %arg4[%mul3A_2, %dma_wait3A_228] : memref<16384x3200xf32, #tpu.memory_space<hbm>> -> memref<8x3200xf32, #tpu.memory_space<hbm>>
    %dma_wait3A_230 = arith.constant 0 : i32
    %dma_wait3A_231 = arith.constant 0 : i32
    %dma_wait3A_232 = tpu.memref_slice %arg6[%dma_wait3A_221, %dma_wait3A_230, %dma_wait3A_231] : memref<2x8x3200xf32, #tpu.memory_space<vmem>> -> memref<1x8x3200xf32, #tpu.memory_space<vmem>>
    %dma_wait3A_233 = tpu.memref_squeeze %dma_wait3A_232 : memref<1x8x3200xf32, #tpu.memory_space<vmem>> -> memref<8x3200xf32, #tpu.memory_space<vmem>>
    tpu.wait_dma2 semaphore(%arg10 : memref<!tpu.dma_semaphore, #tpu.memory_space<semaphore_mem>>) src(%dma_wait3A_233 : memref<8x3200xf32, #tpu.memory_space<vmem>>) dst(%dma_wait3A_229 : memref<8x3200xf32, #tpu.memory_space<hbm>>)
    %dma_wait3A_234 = arith.constant 1 : i32
    %dma_wait3A_235 = arith.constant 0 : i32
    %dma_wait3A_236 = arith.constant 0 : i32
    %dma_wait3A_237 = tpu.memref_slice %arg6[%dma_wait3A_234, %dma_wait3A_235, %dma_wait3A_236] : memref<2x8x3200xf32, #tpu.memory_space<vmem>> -> memref<1x8x3200xf32, #tpu.memory_space<vmem>>
    %dma_wait3A_238 = tpu.memref_squeeze %dma_wait3A_237 : memref<1x8x3200xf32, #tpu.memory_space<vmem>> -> memref<8x3200xf32, #tpu.memory_space<vmem>>
    %dma_wait3A_239 = arith.constant 0 : i32
    %dma_wait3A_240 = tpu.memref_slice %arg5[%dma_wait3A_239] : memref<512xi32, #tpu.memory_space<vmem>> -> memref<8xi32, #tpu.memory_space<vmem>>
    %dma_wait3A_241 = arith.constant 0 : i32
    %dma_wait3A_242 = arith.constant 0 : i32
    %dma_wait3A_243 = tpu.memref_slice %arg3[%dma_wait3A_241, %dma_wait3A_242] : memref<32000x3200xf32, #tpu.memory_space<hbm>> -> memref<32000x3200xf32, #tpu.memory_space<hbm>>
    tpu.wait_indirect_dma semaphore(%arg9 : memref<!tpu.dma_semaphore, #tpu.memory_space<semaphore_mem>>) src(%dma_wait3A_243 : memref<32000x3200xf32, #tpu.memory_space<hbm>>) dst(%dma_wait3A_238 : memref<8x3200xf32, #tpu.memory_space<vmem>>)
    %multiple_of3A_244 = arith.constant 504 : i32
    %multiple_of3A_245 = tpu.assume_multiple %multiple_of3A_244, 8 : i32
    %add3A_246 = arith.addi %mul3A_2, %multiple_of3A_245 : i32
    %dma_start3A_247 = arith.constant 1 : i32
    %dma_start3A_248 = arith.constant 0 : i32
    %dma_start3A_249 = arith.constant 0 : i32
    %dma_start3A_250 = tpu.memref_slice %arg6[%dma_start3A_247, %dma_start3A_248, %dma_start3A_249] : memref<2x8x3200xf32, #tpu.memory_space<vmem>> -> memref<1x8x3200xf32, #tpu.memory_space<vmem>>
    %dma_start3A_251 = tpu.memref_squeeze %dma_start3A_250 : memref<1x8x3200xf32, #tpu.memory_space<vmem>> -> memref<8x3200xf32, #tpu.memory_space<vmem>>
    %dma_start3A_252 = arith.constant 0 : i32
    %dma_start3A_253 = tpu.memref_slice %arg4[%add3A_246, %dma_start3A_252] : memref<16384x3200xf32, #tpu.memory_space<hbm>> -> memref<8x3200xf32, #tpu.memory_space<hbm>>
    %dma_start3A_254 = arith.constant 0 : i32
    %dma_start3A_255 = tpu.memref_slice %arg4[%add3A_246, %dma_start3A_254] : memref<16384x3200xf32, #tpu.memory_space<hbm>> -> memref<8x3200xf32, #tpu.memory_space<hbm>>
    %dma_start3A_256 = arith.constant 0 : i32
    %dma_start3A_257 = arith.constant 0 : i32
    %dma_start3A_258 = tpu.memref_slice %arg6[%dma_start3A_247, %dma_start3A_256, %dma_start3A_257] : memref<2x8x3200xf32, #tpu.memory_space<vmem>> -> memref<1x8x3200xf32, #tpu.memory_space<vmem>>
    %dma_start3A_259 = tpu.memref_squeeze %dma_start3A_258 : memref<1x8x3200xf32, #tpu.memory_space<vmem>> -> memref<8x3200xf32, #tpu.memory_space<vmem>>
    tpu.enqueue_dma source(%dma_start3A_259 : memref<8x3200xf32, #tpu.memory_space<vmem>>) target(%dma_start3A_255 : memref<8x3200xf32, #tpu.memory_space<hbm>>) target_semaphore(%arg11 : memref<!tpu.dma_semaphore, #tpu.memory_space<semaphore_mem>>)
    %dma_wait3A_260 = arith.constant 1 : i32
    %dma_wait3A_261 = arith.constant 0 : i32
    %dma_wait3A_262 = arith.constant 0 : i32
    %dma_wait3A_263 = tpu.memref_slice %arg7[%arg1, %dma_wait3A_260, %dma_wait3A_261, %dma_wait3A_262] : memref<16x2x8x3200xf32, #tpu.memory_space<vmem_shared>> -> memref<1x1x8x3200xf32, #tpu.memory_space<vmem_shared>>
    %dma_wait3A_264 = tpu.memref_squeeze %dma_wait3A_263 : memref<1x1x8x3200xf32, #tpu.memory_space<vmem_shared>> -> memref<8x3200xf32, #tpu.memory_space<vmem_shared>>
    %dma_wait3A_265 = arith.constant 0 : i32
    %dma_wait3A_266 = arith.constant 0 : i32
    %dma_wait3A_267 = tpu.memref_slice %arg3[%dma_wait3A_265, %dma_wait3A_266] : memref<32000x3200xf32, #tpu.memory_space<hbm>> -> memref<8x3200xf32, #tpu.memory_space<hbm>>
    tpu.wait_dma2 semaphore(%arg13 : memref<!tpu.dma_semaphore, #tpu.memory_space<semaphore_mem>>) src(%dma_wait3A_267 : memref<8x3200xf32, #tpu.memory_space<hbm>>) dst(%dma_wait3A_264 : memref<8x3200xf32, #tpu.memory_space<vmem_shared>>)
    %multiple_of3A_268 = arith.constant 248 : i32
    %multiple_of3A_269 = tpu.assume_multiple %multiple_of3A_268, 8 : i32
    %add3A_270 = arith.addi %mul3A_2, %multiple_of3A_269 : i32
    %dma_start3A_271 = arith.constant 1 : i32
    %dma_start3A_272 = arith.constant 0 : i32
    %dma_start3A_273 = tpu.memref_slice %arg4[%add3A_270, %dma_start3A_272] : memref<16384x3200xf32, #tpu.memory_space<hbm>> -> memref<8x3200xf32, #tpu.memory_space<hbm>>
    %dma_start3A_274 = arith.constant 0 : i32
    %dma_start3A_275 = arith.constant 0 : i32
    %dma_start3A_276 = tpu.memref_slice %arg7[%arg1, %dma_start3A_271, %dma_start3A_274, %dma_start3A_275] : memref<16x2x8x3200xf32, #tpu.memory_space<vmem_shared>> -> memref<1x1x8x3200xf32, #tpu.memory_space<vmem_shared>>
    %dma_start3A_277 = tpu.memref_squeeze %dma_start3A_276 : memref<1x1x8x3200xf32, #tpu.memory_space<vmem_shared>> -> memref<8x3200xf32, #tpu.memory_space<vmem_shared>>
    tpu.enqueue_dma source(%dma_start3A_277 : memref<8x3200xf32, #tpu.memory_space<vmem_shared>>) target(%dma_start3A_273 : memref<8x3200xf32, #tpu.memory_space<hbm>>) target_semaphore(%arg15 : memref<!tpu.dma_semaphore, #tpu.memory_space<semaphore_mem>>)
    %dma_wait3A_278 = arith.constant 1 : i32
    %dma_wait3A_279 = arith.constant 0 : i32
    %dma_wait3A_280 = arith.constant 0 : i32
    %dma_wait3A_281 = tpu.memref_slice %arg6[%dma_wait3A_278, %dma_wait3A_279, %dma_wait3A_280] : memref<2x8x3200xf32, #tpu.memory_space<vmem>> -> memref<1x8x3200xf32, #tpu.memory_space<vmem>>
    %dma_wait3A_282 = tpu.memref_squeeze %dma_wait3A_281 : memref<1x8x3200xf32, #tpu.memory_space<vmem>> -> memref<8x3200xf32, #tpu.memory_space<vmem>>
    %dma_wait3A_283 = arith.constant 0 : i32
    %dma_wait3A_284 = tpu.memref_slice %arg4[%mul3A_2, %dma_wait3A_283] : memref<16384x3200xf32, #tpu.memory_space<hbm>> -> memref<8x3200xf32, #tpu.memory_space<hbm>>
    %dma_wait3A_285 = arith.constant 0 : i32
    %dma_wait3A_286 = tpu.memref_slice %arg4[%mul3A_2, %dma_wait3A_285] : memref<16384x3200xf32, #tpu.memory_space<hbm>> -> memref<8x3200xf32, #tpu.memory_space<hbm>>
    %dma_wait3A_287 = arith.constant 0 : i32
    %dma_wait3A_288 = arith.constant 0 : i32
    %dma_wait3A_289 = tpu.memref_slice %arg6[%dma_wait3A_278, %dma_wait3A_287, %dma_wait3A_288] : memref<2x8x3200xf32, #tpu.memory_space<vmem>> -> memref<1x8x3200xf32, #tpu.memory_space<vmem>>
    %dma_wait3A_290 = tpu.memref_squeeze %dma_wait3A_289 : memref<1x8x3200xf32, #tpu.memory_space<vmem>> -> memref<8x3200xf32, #tpu.memory_space<vmem>>
    tpu.wait_dma2 semaphore(%arg11 : memref<!tpu.dma_semaphore, #tpu.memory_space<semaphore_mem>>) src(%dma_wait3A_290 : memref<8x3200xf32, #tpu.memory_space<vmem>>) dst(%dma_wait3A_286 : memref<8x3200xf32, #tpu.memory_space<hbm>>)
    %dma_wait3A_291 = arith.constant 0 : i32
    %dma_wait3A_292 = arith.constant 0 : i32
    %dma_wait3A_293 = tpu.memref_slice %arg4[%mul3A_2, %dma_wait3A_292] : memref<16384x3200xf32, #tpu.memory_space<hbm>> -> memref<8x3200xf32, #tpu.memory_space<hbm>>
    %dma_wait3A_294 = arith.constant 0 : i32
    %dma_wait3A_295 = arith.constant 0 : i32
    %dma_wait3A_296 = tpu.memref_slice %arg7[%arg1, %dma_wait3A_291, %dma_wait3A_294, %dma_wait3A_295] : memref<16x2x8x3200xf32, #tpu.memory_space<vmem_shared>> -> memref<1x1x8x3200xf32, #tpu.memory_space<vmem_shared>>
    %dma_wait3A_297 = tpu.memref_squeeze %dma_wait3A_296 : memref<1x1x8x3200xf32, #tpu.memory_space<vmem_shared>> -> memref<8x3200xf32, #tpu.memory_space<vmem_shared>>
    tpu.wait_dma2 semaphore(%arg14 : memref<!tpu.dma_semaphore, #tpu.memory_space<semaphore_mem>>) src(%dma_wait3A_297 : memref<8x3200xf32, #tpu.memory_space<vmem_shared>>) dst(%dma_wait3A_293 : memref<8x3200xf32, #tpu.memory_space<hbm>>)
    %dma_wait3A_298 = arith.constant 0 : i32
    %dma_wait3A_299 = arith.constant 0 : i32
    %dma_wait3A_300 = tpu.memref_slice %arg4[%mul3A_2, %dma_wait3A_299] : memref<16384x3200xf32, #tpu.memory_space<hbm>> -> memref<8x3200xf32, #tpu.memory_space<hbm>>
    %dma_wait3A_301 = arith.constant 0 : i32
    %dma_wait3A_302 = arith.constant 0 : i32
    %dma_wait3A_303 = tpu.memref_slice %arg7[%arg1, %dma_wait3A_298, %dma_wait3A_301, %dma_wait3A_302] : memref<16x2x8x3200xf32, #tpu.memory_space<vmem_shared>> -> memref<1x1x8x3200xf32, #tpu.memory_space<vmem_shared>>
    %dma_wait3A_304 = tpu.memref_squeeze %dma_wait3A_303 : memref<1x1x8x3200xf32, #tpu.memory_space<vmem_shared>> -> memref<8x3200xf32, #tpu.memory_space<vmem_shared>>
    tpu.wait_dma2 semaphore(%arg15 : memref<!tpu.dma_semaphore, #tpu.memory_space<semaphore_mem>>) src(%dma_wait3A_304 : memref<8x3200xf32, #tpu.memory_space<vmem_shared>>) dst(%dma_wait3A_300 : memref<8x3200xf32, #tpu.memory_space<hbm>>)
    return
  }
}

</mosaic_0001>

<sc_bundles>
// kernel: kernel.3.cloned.1.call-start
scs
__scs_entry_jumppad:
0x0: {  	(pc) =	sbr.rel $0x88, $3  }
0x1: {  	(tag) =	ssettag $0x0;
	lr =	simm.s32 $0x1  }
0x2: {  	[smem:$0x3F9E] =	sst lr;
	_ =	strace $0xD0000000  }
0x3: {  	_ = 	snop  }
0x4: {  	_ = 	snop  }
0x5: {  	_ = 	snop  }
0x6: {  	_ = 	snop  }
0x7: {  	_ = 	snop  }
__scs_overlays_trampoline_lowered:
0x8: {  	[smem:$0x3FAD] =	sst s0  }
0x9: {  	[smem:$0x3FAE] =	sst s1  }
0xa: {  	[smem:$0x3FAF] =	sst s2  }
0xb: {  	[smem:$0x3FB0] =	sst s3  }
0xc: {  	[smem:$0x3FB1] =	sst s4  }
0xd: {  	[smem:$0x3FB2] =	sst s5  }
0xe: {  	[smem:$0x3FB3] =	sst s6  }
0xf: {  	[smem:$0x3FB4] =	sst s7  }
0x10: {  	[smem:$0x3FB5] =	sst s8  }
0x11: {  	[smem:$0x3FB6] =	sst s9;
	s0 =	simm.s32 @!p0 $0x0  }
0x12: {  	s1 =	sld [smem:$0x3F9C];
	s0 =	simm.s32 @p0 $0x1  }
0x13: {  	[smem:$0x3FB7] =	sst s0;
	s0 =	simm.s32 @!p1 $0x0  }
0x14: {  	s2 =	sld [smem:$0x3F9B];
	s0 =	simm.s32 @p1 $0x1  }
0x15: {  	[smem:$0x3FB8] =	sst s0;
	s0 =	simm.s32 @!p2 $0x0  }
0x16: {  	s3 =	sld [smem:$0x3FDB];
	s0 =	simm.s32 @p2 $0x1  }
0x17: {  	s4 =	simm.s32 $0x1BF5;
	[smem:$0x3FBA] =	sst s0  }
0x18: {  	s0 =	sld [smem:$0x3F9D];
	_ =	swait.ge [sflag:s4], $0x0  }
0x19: {  	s7 =	sld [smem:$0x3F9E]  }
0x1a: {  	s8 =	sadd.s32 $0xFFFFE003, lr  }
0x1b: {  	s9 =	sadd.s32 $0xFFFFFEF7, lr;
	s5 =	simm.s32 $0xFFFFFFFF;
	p2 =	slt.u32 s8, $0xFFFFF086  }
0x1c: {  	p1 =	slt.u32 s9, $0xF7A;
	s5 =	simm.s32 @!p2 $0x0  }
0x1d: {  	s5 =	simm.s32 @p1 $0x1;
	p0 =	seq.s32 s7, s2  }
0x1e: {  	s7 =	smul.u32 @!p0 $0xF7A, s2;
	p2 =	seq.s32 @!p0 s5, $0x0  }
0x1f: {  	s9 =	smul.u32 $0xF7A, s1;
	s8 =	simm.s32 @!p0 $0x1BF5;
	p2 =	por !p2, p0  }
0x20: {  	[sflag:s8] =	ssyncset.s32 @!p0 $0xFFFFF086;
	s6 =	sadd.s32 @!p0 s3, s7;
	s7 =	simm.s32 @!p0 $0x108  }
0x21: {  	s3 =	sadd.s32 s3, s9;
	s6 =	sadd.s32 @!p0 $0x88, s6;
	s7 =	simm.s32 @p2 $0x1082  }
0x22: {  	[simem:s7], [sflag:s8] =	dma.local @!p0 [hbm:s6], $0xF7A  }
0x23: {  	s9 =	sor.u32 $0xD0000000, s2;
	s6 =	simm.s32 $0x108;
	_ =	swait.ge @!p0 [sflag:s8], $0x0  }
0x24: {  	s3 =	sadd.s32 $0x88, s3;
	s6 =	simm.s32 @!p1 $0x1082;
	[sflag:s4] =	ssyncset.s32 $0xFFFFF086  }
0x25: {  	[simem:s6], [sflag:s4] =	dma.local [hbm:s3], $0xF7A  }
0x26: {  	[smem:$0x3F9E] =	sst s1;
	(tag) =	ssettag s2;
	_ =	strace s9  }
0x27: {  	s1 =	sld [smem:$0x3FAE]  }
0x28: {  	s2 =	sld [smem:$0x3FAF]  }
0x29: {  	s4 =	sld [smem:$0x3FB1]  }
0x2a: {  	p0 =	seq.s32 s5, $0x0;
	s5 =	sld [smem:$0x3FB2]  }
0x2b: {  	s6 =	sld [smem:$0x3FB3]  }
0x2c: {  	s7 =	sld [smem:$0x3FB4]  }
0x2d: {  	s3 =	simm.s32 $0x108;
	s8 =	sld [smem:$0x3FB5]  }
0x2e: {  	s3 =	simm.s32 @!p0 $0x1082;
	s9 =	sld [smem:$0x3FB6]  }
0x2f: {  	lr =	sadd.s32 s0, s3;
	s0 =	sld [smem:$0x3FAD]  }
0x30: {  	s3 =	sld [smem:$0x3FB0]  }
0x31: {  	[smem:$0x3FB9] =	sst s10  }
0x32: {  	s10 =	sld [smem:$0x3FB7];
	_ =	sdelay $0x3  }
0x33: {  	p0 =	seq.s32 s10, $0x1;
	s10 =	sld [smem:$0x3FB9];
	_ =	sdelay $0x3  }
0x34: {  	[smem:$0x3FB9] =	sst s10  }
0x35: {  	s10 =	sld [smem:$0x3FB8];
	_ =	sdelay $0x3  }
0x36: {  	p1 =	seq.s32 s10, $0x1;
	s10 =	sld [smem:$0x3FB9];
	_ =	sdelay $0x3  }
0x37: {  	[smem:$0x3FB9] =	sst s10  }
0x38: {  	s10 =	sld [smem:$0x3FBA]  }
0x39: {  	_ = 	snop;
	(pc) =	sbr.ind lr, $3  }
0x3a: {  	_ = 	snop  }
0x3b: {  	_ = 	snop  }
0x3c: {  	p2 =	seq.s32 s10, $0x1;
	s10 =	sld [smem:$0x3FB9]  }
0x3d: {  	_ =	shalt  }
0x3e: {  	_ =	shalt  }
0x3f: {  	_ =	shalt  }
0x40: {  	_ =	shalt  }
0x41: {  	_ =	shalt  }
0x42: {  	_ =	shalt  }
0x43: {  	_ =	shalt  }
0x44: {  	_ =	shalt  }
0x45: {  	_ =	shalt  }
0x46: {  	_ =	shalt  }
0x47: {  	_ =	shalt  }
0x48: {  	_ =	shalt  }
0x49: {  	_ =	shalt  }
0x4a: {  	_ =	shalt  }
0x4b: {  	_ =	shalt  }
0x4c: {  	_ =	shalt  }
0x4d: {  	_ =	shalt  }
0x4e: {  	_ =	shalt  }
0x4f: {  	_ =	shalt  }
0x50: {  	_ =	shalt  }
0x51: {  	_ =	shalt  }
0x52: {  	_ =	shalt  }
0x53: {  	_ =	shalt  }
0x54: {  	_ =	shalt  }
0x55: {  	_ =	shalt  }
0x56: {  	_ =	shalt  }
0x57: {  	_ =	shalt  }
0x58: {  	_ =	shalt  }
0x59: {  	_ =	shalt  }
0x5a: {  	_ =	shalt  }
0x5b: {  	_ =	shalt  }
0x5c: {  	_ =	shalt  }
0x5d: {  	_ =	shalt  }
0x5e: {  	_ =	shalt  }
0x5f: {  	_ =	shalt  }
0x60: {  	_ =	shalt  }
0x61: {  	_ =	shalt  }
0x62: {  	_ =	shalt  }
0x63: {  	_ =	shalt  }
0x64: {  	_ =	shalt  }
0x65: {  	_ =	shalt  }
0x66: {  	_ =	shalt  }
0x67: {  	_ =	shalt  }
0x68: {  	_ =	shalt  }
0x69: {  	_ =	shalt  }
0x6a: {  	_ =	shalt  }
0x6b: {  	_ =	shalt  }
0x6c: {  	_ =	shalt  }
0x6d: {  	_ =	shalt  }
0x6e: {  	_ =	shalt  }
0x6f: {  	_ =	shalt  }
0x70: {  	_ =	shalt  }
0x71: {  	_ =	shalt  }
0x72: {  	_ =	shalt  }
0x73: {  	_ =	shalt  }
0x74: {  	_ =	shalt  }
0x75: {  	_ =	shalt  }
0x76: {  	_ =	shalt  }
0x77: {  	_ =	shalt  }
0x78: {  	_ =	shalt  }
0x79: {  	_ =	shalt  }
0x7a: {  	_ =	shalt  }
0x7b: {  	_ =	shalt  }
0x7c: {  	_ =	shalt  }
0x7d: {  	_ =	shalt  }
0x7e: {  	_ =	shalt  }
0x7f: {  	_ =	shalt  }
0x80: {  	_ =	shalt  }
0x81: {  	_ =	shalt  }
0x82: {  	_ =	shalt  }
0x83: {  	_ =	shalt  }
0x84: {  	_ =	shalt  }
0x85: {  	_ =	shalt  }
0x86: {  	_ =	shalt  }
0x87: {  	_ =	shalt  }
.Lfunc_end0:
.L_simem_size_0:
called_computation_lowered:
.L_overlay_start_0:
0x88: {  	s2 =	sld [smem:$0x3FD9]  }
0x89: {  	s3 =	sld [smem:$0x3FFE];
	_ =	sdelay $0x1  }
0x8a: {  	s1 =	srdreg.scid  }
0x8b: {  	s0 =	sand.u32 $0x1, s1  }
0x8c: {  	s15 =	sshll.u32 s0, $0xA;
	s2 =	sadd.s32 s3, s2  }
0x8d: {  	s2 =	sadd.s32 s2, s15  }
0x8e: {  	[smem:$0x3FC5] =	sst s2  }
0x8f: {  	_ = 	snop  }
0x90: {  	s2 =	sld [smem:$0x3FD0];
	_ =	sdelay $0x2  }
0x91: {  	s4 =	simm.s32 $0xA;
	s5 =	simm.s32 $0x10;
	s16 =	sld [smem:$0x3FC7]  }
0x92: {  	[smem:s5], [sflag:s4] =	dma.local [hbm:s2], $0x1  }
0x93: {  	_ =	swait.eq [sflag:s4], $0x1  }
0x94: {  	[sflag:s4] =	ssyncset.done $0x0  }
0x95: {  	s17 =	sld [smem:$0x10];
	[sflag:s4] =	ssyncadd.s32 $0xFFFFFFFF  }
0x96: {  	s18 =	sld [smem:$0x11];
	(tm) =	ssettm $0x1  }
0x97: {  	s19 =	sld [smem:$0x3FFB];
	_ =	sdelay $0x3  }
0x98: {  	_ =	strace s19  }
0x99: {  	s5 =	sld [smem:$0x3FFC];
	_ =	sdelay $0x3  }
0x9a: {  	_ =	strace s5  }
0x9b: {  	s5 =	sld [smem:$0x3FFD];
	_ =	sdelay $0x3  }
0x9c: {  	_ =	strace s5  }
0x9d: {  	_ =	strace $0x8FFFFFFF  }
0x9e: {  	s20 =	sld [smem:$0x3FDB];
	_ =	sdelay $0x1  }
0x9f: {  	s6 =	simm.s32 $_scs_section_size  }
0xa0: {  	s7 =	simm.s32 $_size__tile_overlayer_lowered;
	s8 =	simm.s32 $_tile_overlayer_lowered  }
0xa1: {  	s23 =	simm.s32 $0x1BFF;
	s22 =	sshll.u32 s8, $0x1;
	s5 =	sadd.s32 s6, s20  }
0xa2: {  	s9 =	simm.s32 $0x0;
	s21 =	sshll.u32 s7, $0x1;
	s7 =	sadd.s32 s22, s5  }
0xa3: {  	[timem:s9], [sflag:s23] =	dma.local [hbm:s7], s21  }
0xa4: {  	_ =	swait.ge [sflag:s23], s21  }
0xa5: {  	s6 =	ssub.s32 $0x0, s21;
	[sflag:s23] =	ssyncset.done $0x0  }
0xa6: {  	[sflag:s23] =	ssyncadd.s32 s6;
	_ =	sdelay $0x1  }
0xa7: {  	s24 =	simm.s32 $0x1B8B  }
0xa8: {  	_ =	swait.ge [sflag:s24], $0x1  }
0xa9: {  	[sflag:s24] =	ssyncset.done $0x0  }
0xaa: {  	s25 =	simm.s32 $0x1B8E;
	[sflag:s24] =	ssyncadd.s32 $0xFFFFFFFF  }
0xab: {  	s26 =	simm.s32 $execute0_lowered;
	[smem:$0x3FD2] =	sst s25  }
0xac: {  	s6 =	sshll.u32 s26, $0x1;
	_ =	strace $0x80000046;
	[dreg:$0x1] =	wrdreg $0xFFFFFFFF  }
0xad: {  	s28 =	simm.s32 $_size_execute0_lowered;
	s5 =	sadd.s32 s5, s6;
	[dreg:$0x0] =	wrdreg $0x0  }
0xae: {  	s6 =	sshll.u32 s28, $0x1;
	[dreg:$0x2] =	wrdreg s5  }
0xaf: {  	[dreg:$0x3] =	wrdreg s6  }
0xb0: {  	[dreg:$0x4] =	wrdreg $0xC0  }
0xb1: {  	_ =	task [dreg:s9], $0x5FFFF  }
0xb2: {  	[dreg:$0x1] =	wrdreg $0xFFFFFFFF  }
0xb3: {  	[dreg:$0x0] =	wrdreg $0x60  }
0xb4: {  	[dreg:$0x2] =	wrdreg s18  }
0xb5: {  	[dreg:$0x3] =	wrdreg s16  }
0xb6: {  	[dreg:$0x4] =	wrdreg s17  }
0xb7: {  	[dreg:$0x5] =	wrdreg $0xCA000  }
0xb8: {  	[dreg:$0x6] =	wrdreg $0x9  }
0xb9: {  	_ =	task.clear_ibuf [dreg:s9], $0x7FFFF;
	_ =	strace $0x90000046  }
0xba: {  	s29 =	simm.s32 $0x9;
	_ =	strace $0x80000048  }
0xbb: {  	_ =	swait.ge [sflag:s29], $0x1  }
0xbc: {  	[sflag:s29] =	ssyncadd.s32 $0xFFFFFFFF  }
0xbd: {  	_ =	strace $0x90000048  }
0xbe: {  	_ =	sfence  }
0xbf: {  	s30 =	sld [smem:$0x0];
	_ =	sdelay $0x2  }
0xc0: {  	s31 =	sshll.u32 s1, $0xD;
	s1 =	sshrl.u32 s1, $0x2  }
0xc1: {  	s3 =	sand.u32 $0x4000, s31;
	s1 =	sadd.s32 s1, s30  }
0xc2: {  	s0 =	sor.u32 s3, s0;
	s1 =	sshll.u32 s1, $0x11  }
0xc3: {  	s0 =	sor.u32 s1, s0  }
0xc4: {  	s0 =	sadd.s32 $0x8F2B, s0  }
0xc5: {  	[sflag:s0] =	ssyncadd.remote.s32 $0x1  }
0xc6: {  	_ =	sfence.sel $0xFFFF  }
0xc7: {  	[dreg:$0x0] =	wrdreg $0xFFFFFFFF;
	(pc) =	sbr.abs _section_cstart, $3  }
0xc8: {  	[dreg:$0x1] =	wrdreg $0xFFFFFFFF  }
0xc9: {  	_ =	task.clear_ibuf [dreg:s9], $0x2FFFF;
	_ =	strace $0x9FFFFFFF  }
0xca: {  	(tm) =	ssettm $0x7FFFFFFF  }
0xcb: {  	_ =	shalt  }
tec
execute0_lowered:
.L_overlay_start_1:
0x0: {  	(tag) =	ssettag $0x1  }
0x1: {  	s0 =	rddreg [dreg:$0x0]  }
0x2: {  	s1 =	rddreg [dreg:$0x1]  }
0x3: {  	s18 =	rddreg [dreg:$0x2]  }
0x4: {  	s2 =	rddreg [dreg:$0x3];
	s4 =	simm.s32 $0x0;
	s3 =	srdreg.scid  }
0x5: {  	s6 =	stileid.u32;
	[smem:$0x7FF] =	sst s4  }
0x6: {  	s3 =	sand.u32 $0x1, s3;
	s5 =	smul.u32 $0x32000, s6;
	s6 =	sshll.u32 s6, $0xA  }
0x7: {  	s20 =	sadd.s32 $0x100, s1;
	s21 =	sadd.s32 $0x200, s1;
	s7 =	sshll.u32 s3, $0x9  }
0x8: {  	s26 =	sadd.s32 $0x300, s1;
	s28 =	sadd.s32 $0x400, s1;
	s6 =	sor.u32 s7, s6  }
0x9: {  	s29 =	sadd.s32 $0x500, s1;
	s5 =	sshrl.u32 s5, $0x2;
	s8 =	sshrl.u32 s6, $0x3  }
0xa: {  	_ =	strace $0x80000047;
	s9 =	sadd.s32 s5, s2;
	[dreg:$0x1f] =	wrdreg s8  }
0xb: {  	s30 =	sadd.s32 $0x600, s1;
	s0 =	sadd.s32 s0, s8;
	[smem:$0x7FC] =	sst s9  }
0xc: {  	s31 =	sadd.s32 $0x700, s1;
	s11 =	sadd.s32 $0x80, s9;
	[smem:$0x7E8] =	sst s0  }
0xd: {  	s3 =	ssub.s32 $0x2, s3;
	s12 =	sadd.s32 $0x100, s9;
	[smem:$0x7E9] =	sst s11  }
0xe: {  	s10 =	sshrl.u32 s3, $0x1;
	s13 =	sadd.s32 $0x180, s9;
	[smem:$0x7EA] =	sst s12  }
0xf: {  	s2 =	ssub.s32 s3, s10;
	s14 =	sadd.s32 $0x200, s9;
	[smem:$0x7EB] =	sst s13  }
0x10: {  	s22 =	sor.u32 $0x10, s6;
	s15 =	sadd.s32 $0x280, s9;
	[smem:$0x7EC] =	sst s14  }
0x11: {  	s6 =	sor.u32 $0x110, s6;
	s16 =	sadd.s32 $0x300, s9;
	[smem:$0x7ED] =	sst s15  }
0x12: {  	s17 =	sadd.s32 $0x380, s9;
	s19 =	smul.u32 $0xC80, s8;
	[smem:$0x7EE] =	sst s16  }
0x13: {  	s3 =	sshrl.u32 s22, $0x3;
	s22 =	sadd.s32 $0x6680, s9;
	[smem:$0x7EF] =	sst s17  }
0x14: {  	s23 =	smul.u32 $0x6400, s8;
	s13 =	smax.u32 s2, $0x1;
	[smem:$0x7FA] =	sst s22  }
0x15: {  	s6 =	sshrl.u32 s6, $0x3;
	s14 =	sadd.s32 $0x6400, s9;
	[smem:$0x7F4] =	sst s13  }
0x16: {  	s25 =	smul.u32 $0xC80, s3;
	s15 =	sadd.s32 $0x6480, s9;
	[smem:$0x7F5] =	sst s14  }
0x17: {  	s3 =	smul.u32 $0xC80, s6;
	s16 =	sadd.s32 $0x6500, s9;
	[smem:$0x7F6] =	sst s15  }
0x18: {  	s6 =	sadd.s32 $0xB00, s1;
	s17 =	sadd.s32 $0x6580, s9;
	[smem:$0x7F7] =	sst s16  }
0x19: {  	s22 =	simm.s32 $0x4200;
	s24 =	sadd.s32 s19, s18;
	[smem:$0x7F8] =	sst s17  }
0x1a: {  	s5 =	sshrl.u32 s23, $0x3;
	s13 =	sadd.s32 $0x900, s1;
	[dreg:$0x1c] =	wrdreg s6  }
0x1b: {  	s23 =	sadd.s32 $0xA00, s1;
	s19 =	sadd.s32 $0x6600, s9;
	[smem:$0x7F0] =	sst s24  }
0x1c: {  	s14 =	simm.s32 $0x1A00;
	s7 =	sadd.s32 $0xC80, s24;
	[smem:$0x7F9] =	sst s19  }
0x1d: {  	s15 =	simm.s32 $0x2200;
	s0 =	sadd.s32 s25, s18;
	[dreg:$0x5] =	wrdreg s7  }
0x1e: {  	s17 =	simm.s32 $0x3200;
	s8 =	sadd.s32 s3, s18;
	[dreg:$0x6] =	wrdreg s0  }
0x1f: {  	s5 =	sadd.s32 s18, s5;
	s24 =	sadd.s32 $0x6700, s9;
	[dreg:$0x7] =	wrdreg s8  }
0x20: {  	s25 =	sadd.s32 $0x6780, s9;
	s9 =	simm.s32 $0x200;
	[smem:$0x7FB] =	sst s24  }
0x21: {  	s19 =	simm.s32 $0x3A00;
	s10 =	sadd.s32 $0x19000, s5;
	[smem:$0x7FD] =	sst s25  }
0x22: {  	s3 =	simm.s32 $0x0;
	s11 =	sadd.s32 $0x31380, s5;
	[smem:$0x7F1] =	sst s10  }
0x23: {  	v0 =	vlaneseq.u32;
	s12 =	sadd.s32 $0x18380, s5;
	s24 =	simm.s32 $0x4A00;
	[smem:$0x7F2] =	sst s11  }
0x24: {  	vm0 =	vmmov $0xff;
	v1 =	vshrl.u32 v0, $0x3;
	[smem:$0x7F3] =	sst s12;
	s10 =	sadd.s32 $0x800, s1;
	s1 =	sadd.s32 $0xC00, s1  }
0x25: {  	vm1 =	vmmov $0xffff;
	v0 =	vand.u32 $0x7, v0;
	v1 =	vmul.u32 $0x8, v1;
	s25 =	simm.s32 $0x5200;
	s12 =	simm.s32 $0xA00;
	[dreg:$0x8] =	wrdreg s1  }
.LBB2_1:
0x26: {  	s2 =	sld [smem:$0x7E8];
	_ =	sdelay $0x1  }
0x27: {  	[smem:$0x7E6] =	sst s3;
	s0 =	simm.s32 $0x9  }
0x28: {  	[tilespmem:s4], [sflag:$0x9] =	stream.linear.gather [hbm4b:s2+s4], $0x200, $0x38;
	[tilespmem:$0x19200] =	vst v63  }
0x29: {  	_ =	swait.ge [sflag:s0], $0x200  }
0x2a: {  	[sflag:s0] =	ssyncset.done $0x0  }
0x2b: {  	[sflag:s0] =	ssyncadd.s32 $0xFFFFFE00  }
0x2c: {  	v2 =	vld.msk [tilespmem:$0x0], $0xff;
	_ =	sdelay $0x4  }
0x2d: {  	(v2sf) =	vpush v2, $0x0;
	_ =	sdelay $0xe  }
0x2e: {  	s8 =	spop (v2sf)  }
0x2f: {  	s5 =	sshrl.u32 s8, $0x3  }
0x30: {  	s11 =	stileid.u32;
	s2 =	sshll.u32 s8, $0x7;
	s5 =	smul.u32 $0x6400, s5  }
0x31: {  	s16 =	sshll.u32 s11, $0x6;
	s0 =	sld [smem:$0x7FC];
	s2 =	sand.u32 $0x380, s2  }
0x32: {  	s7 =	simm.s32 $0x80;
	[smem:$0x7E7] =	sst s16;
	s2 =	sor.u32 s2, s5  }
0x33: {  	s16 =	sor.u32 $0x1C05, s16;
	s1 =	rddreg [dreg:$0x1];
	s2 =	sshrl.u32 s2, $0x3  }
0x34: {  	s11 =	sshrl.u32 s0, $0x3;
	s8 =	simm.s32 $0x1;
	s2 =	sadd.s32 s1, s2  }
0x35: {  	[spmem:s11@s7], [sflag:s16] =	dma.strided [hbm:s2@s7], $0x190, s8, $0x10   }
0x36: {  	(v2sf) =	vpush v2, $0x1;
	_ =	sdelay $0xe  }
0x37: {  	s2 =	spop (v2sf)  }
0x38: {  	s3 =	sshrl.u32 s2, $0x3  }
0x39: {  	s0 =	sld [smem:$0x7E9];
	s2 =	sshll.u32 s2, $0x7;
	s5 =	smul.u32 $0x6400, s3  }
0x3a: {  	s2 =	sand.u32 $0x380, s2  }
0x3b: {  	s2 =	sor.u32 s2, s5  }
0x3c: {  	s5 =	sshrl.u32 s0, $0x3;
	s2 =	sshrl.u32 s2, $0x3  }
0x3d: {  	[dreg:$0xb] =	wrdreg s5;
	s2 =	sadd.s32 s1, s2  }
0x3e: {  	[spmem:s5@s7], [sflag:s16] =	dma.strided [hbm:s2@s7], $0x190, s8, $0x10   }
0x3f: {  	(v2sf) =	vpush v2, $0x2;
	_ =	sdelay $0xe  }
0x40: {  	s2 =	spop (v2sf)  }
0x41: {  	s3 =	sshrl.u32 s2, $0x3  }
0x42: {  	s0 =	sld [smem:$0x7EA];
	s2 =	sshll.u32 s2, $0x7;
	s5 =	smul.u32 $0x6400, s3  }
0x43: {  	s2 =	sand.u32 $0x380, s2  }
0x44: {  	s2 =	sor.u32 s2, s5  }
0x45: {  	s5 =	sshrl.u32 s0, $0x3;
	s2 =	sshrl.u32 s2, $0x3  }
0x46: {  	[dreg:$0xd] =	wrdreg s5;
	s2 =	sadd.s32 s1, s2  }
0x47: {  	[spmem:s5@s7], [sflag:s16] =	dma.strided [hbm:s2@s7], $0x190, s8, $0x10   }
0x48: {  	(v2sf) =	vpush v2, $0x3;
	_ =	sdelay $0xe  }
0x49: {  	s2 =	spop (v2sf)  }
0x4a: {  	s3 =	sshrl.u32 s2, $0x3  }
0x4b: {  	s0 =	sld [smem:$0x7EB];
	s2 =	sshll.u32 s2, $0x7;
	s5 =	smul.u32 $0x6400, s3  }
0x4c: {  	s2 =	sand.u32 $0x380, s2  }
0x4d: {  	s2 =	sor.u32 s2, s5  }
0x4e: {  	s5 =	sshrl.u32 s0, $0x3;
	s2 =	sshrl.u32 s2, $0x3  }
0x4f: {  	[dreg:$0xe] =	wrdreg s5;
	s2 =	sadd.s32 s1, s2  }
0x50: {  	[spmem:s5@s7], [sflag:s16] =	dma.strided [hbm:s2@s7], $0x190, s8, $0x10   }
0x51: {  	(v2sf) =	vpush v2, $0x4;
	_ =	sdelay $0xe  }
0x52: {  	s2 =	spop (v2sf)  }
0x53: {  	s3 =	sshrl.u32 s2, $0x3  }
0x54: {  	s0 =	sld [smem:$0x7EC];
	s2 =	sshll.u32 s2, $0x7;
	s5 =	smul.u32 $0x6400, s3  }
0x55: {  	s2 =	sand.u32 $0x380, s2  }
0x56: {  	s2 =	sor.u32 s2, s5  }
0x57: {  	s5 =	sshrl.u32 s0, $0x3;
	s2 =	sshrl.u32 s2, $0x3  }
0x58: {  	[dreg:$0x10] =	wrdreg s5;
	s2 =	sadd.s32 s1, s2  }
0x59: {  	[spmem:s5@s7], [sflag:s16] =	dma.strided [hbm:s2@s7], $0x190, s8, $0x10   }
0x5a: {  	(v2sf) =	vpush v2, $0x5;
	_ =	sdelay $0xe  }
0x5b: {  	s2 =	spop (v2sf)  }
0x5c: {  	s3 =	sshrl.u32 s2, $0x3  }
0x5d: {  	s0 =	sld [smem:$0x7ED];
	s2 =	sshll.u32 s2, $0x7;
	s5 =	smul.u32 $0x6400, s3  }
0x5e: {  	s2 =	sand.u32 $0x380, s2  }
0x5f: {  	s2 =	sor.u32 s2, s5  }
0x60: {  	s5 =	sshrl.u32 s0, $0x3;
	s2 =	sshrl.u32 s2, $0x3  }
0x61: {  	[dreg:$0x11] =	wrdreg s5;
	s2 =	sadd.s32 s1, s2  }
0x62: {  	[spmem:s5@s7], [sflag:s16] =	dma.strided [hbm:s2@s7], $0x190, s8, $0x10   }
0x63: {  	(v2sf) =	vpush v2, $0x6;
	_ =	sdelay $0xe  }
0x64: {  	s2 =	spop (v2sf)  }
0x65: {  	s3 =	sshrl.u32 s2, $0x3  }
0x66: {  	s0 =	sld [smem:$0x7EE];
	s2 =	sshll.u32 s2, $0x7;
	s5 =	smul.u32 $0x6400, s3  }
0x67: {  	s2 =	sand.u32 $0x380, s2  }
0x68: {  	s2 =	sor.u32 s2, s5  }
0x69: {  	s5 =	sshrl.u32 s0, $0x3;
	s2 =	sshrl.u32 s2, $0x3  }
0x6a: {  	[dreg:$0x12] =	wrdreg s5;
	s2 =	sadd.s32 s1, s2  }
0x6b: {  	[spmem:s5@s7], [sflag:s16] =	dma.strided [hbm:s2@s7], $0x190, s8, $0x10   }
0x6c: {  	(v2sf) =	vpush v2, $0x7;
	_ =	sdelay $0xe  }
0x6d: {  	s2 =	spop (v2sf)  }
0x6e: {  	s3 =	sshrl.u32 s2, $0x3  }
0x6f: {  	s0 =	sld [smem:$0x7EF];
	s2 =	sshll.u32 s2, $0x7;
	s5 =	smul.u32 $0x6400, s3  }
0x70: {  	s2 =	sand.u32 $0x380, s2  }
0x71: {  	s2 =	sor.u32 s2, s5  }
0x72: {  	s5 =	sshrl.u32 s0, $0x3;
	s2 =	sshrl.u32 s2, $0x3  }
0x73: {  	[dreg:$0x13] =	wrdreg s5;
	s2 =	sadd.s32 s1, s2  }
0x74: {  	[spmem:s5@s7], [sflag:s16] =	dma.strided [hbm:s2@s7], $0x190, s8, $0x10   }
0x75: {  	v2 =	vld.msk [tilespmem:$0x100], $0xff;
	_ =	sdelay $0x4  }
0x76: {  	v3 =	vshrl.u32 v2, $0x3  }
0x77: {  	v3 =	vmul.u32 $0xC8, v3  }
0x78: {  	v2 =	vand.u32 $0x7, v2  }
0x79: {  	v2 =	vor.u32 v2, v3  }
0x7a: {  	v2 =	vperm.xlane v2, v0;
	_ =	sdelay $0x1  }
0x7b: {  	v2 =	vadd.s32 v1, v2;
	_ =	sdelay $0x4  }
0x7c: {  	[tilespmem:s9], [sflag:$0x1] =	stream.indirect_vreg.gather [hbm4b:s1+s4], $0x80, v2, vm1, $0xb8;
	[tilespmem:$0x19200] =	vst v63  }
0x7d: {  	_ = 	snop  }
0x7e: {  	[tilespmem:s12], [sflag:$0x1] =	stream.indirect_vreg.gather [hbm4b:s20+s4], $0x80, v2, vm1, $0xb8;
	[tilespmem:$0x19200] =	vst v63  }
0x7f: {  	s12 =	simm.s32 $0x1200  }
0x80: {  	[tilespmem:s12], [sflag:$0x1] =	stream.indirect_vreg.gather [hbm4b:s21+s4], $0x80, v2, vm1, $0xb8;
	[tilespmem:$0x19200] =	vst v63  }
0x81: {  	_ = 	snop  }
0x82: {  	[tilespmem:s14], [sflag:$0x1] =	stream.indirect_vreg.gather [hbm4b:s26+s4], $0x80, v2, vm1, $0xb8;
	[tilespmem:$0x19200] =	vst v63  }
0x83: {  	_ = 	snop  }
0x84: {  	[tilespmem:s15], [sflag:$0x1] =	stream.indirect_vreg.gather [hbm4b:s28+s4], $0x80, v2, vm1, $0xb8;
	[tilespmem:$0x19200] =	vst v63  }
0x85: {  	s2 =	simm.s32 $0x2A00  }
0x86: {  	[tilespmem:s2], [sflag:$0x1] =	stream.indirect_vreg.gather [hbm4b:s29+s4], $0x80, v2, vm1, $0xb8;
	[tilespmem:$0x19200] =	vst v63  }
0x87: {  	_ = 	snop  }
0x88: {  	[tilespmem:s17], [sflag:$0x1] =	stream.indirect_vreg.gather [hbm4b:s30+s4], $0x80, v2, vm1, $0xb8;
	[tilespmem:$0x19200] =	vst v63  }
0x89: {  	_ = 	snop  }
0x8a: {  	[tilespmem:s19], [sflag:$0x1] =	stream.indirect_vreg.gather [hbm4b:s31+s4], $0x80, v2, vm1, $0xb8;
	[tilespmem:$0x19200] =	vst v63  }
0x8b: {  	_ = 	snop  }
0x8c: {  	[tilespmem:s22], [sflag:$0x1] =	stream.indirect_vreg.gather [hbm4b:s10+s4], $0x80, v2, vm1, $0xb8;
	[tilespmem:$0x19200] =	vst v63  }
0x8d: {  	_ = 	snop  }
0x8e: {  	[tilespmem:s24], [sflag:$0x1] =	stream.indirect_vreg.gather [hbm4b:s13+s4], $0x80, v2, vm1, $0xb8;
	[tilespmem:$0x19200] =	vst v63  }
0x8f: {  	_ = 	snop  }
0x90: {  	[tilespmem:s25], [sflag:$0x1] =	stream.indirect_vreg.gather [hbm4b:s23+s4], $0x80, v2, vm1, $0xb8;
	[tilespmem:$0x19200] =	vst v63  }
0x91: {  	s3 =	simm.s32 $0x5A00  }
0x92: {  	[tilespmem:s3], [sflag:$0x1] =	stream.indirect_vreg.gather [hbm4b:s6+s4], $0x80, v2, vm1, $0xb8;
	[tilespmem:$0x19200] =	vst v63  }
0x93: {  	s5 =	rddreg [dreg:$0x8];
	s12 =	simm.s32 $0x6200  }
0x94: {  	[tilespmem:s12], [sflag:$0x1] =	stream.indirect_vreg.gather [hbm4b:s5+s4], $0x80, v2, vm0, $0xb8;
	[tilespmem:$0x19200] =	vst v63  }
0x95: {  	v2 =	vld.msk [tilespmem:$0x8], $0xff;
	_ =	sdelay $0x4  }
0x96: {  	(v2sf) =	vpush v2, $0x0;
	_ =	sdelay $0xe  }
0x97: {  	s0 =	spop (v2sf)  }
0x98: {  	s3 =	sshrl.u32 s0, $0x3  }
0x99: {  	s2 =	sshll.u32 s0, $0x7;
	s5 =	smul.u32 $0x6400, s3  }
0x9a: {  	s2 =	sand.u32 $0x380, s2  }
0x9b: {  	s2 =	sor.u32 s2, s5;
	s5 =	sld [smem:$0x7F5]  }
0x9c: {  	s12 =	sld [smem:$0x7E7];
	_ =	sdelay $0x1  }
0x9d: {  	s2 =	sshrl.u32 s2, $0x3;
	s0 =	sshrl.u32 s5, $0x3  }
0x9e: {  	s3 =	sor.u32 $0x1C06, s12;
	s2 =	sadd.s32 s1, s2;
	[dreg:$0xc] =	wrdreg s0  }
0x9f: {  	[spmem:s0@s7], [sflag:s3] =	dma.strided [hbm:s2@s7], $0x190, s8, $0x10   }
0xa0: {  	(v2sf) =	vpush v2, $0x1;
	_ =	sdelay $0xe  }
0xa1: {  	s2 =	spop (v2sf)  }
0xa2: {  	s0 =	sshrl.u32 s2, $0x3  }
0xa3: {  	s2 =	sshll.u32 s2, $0x7;
	s5 =	smul.u32 $0x6400, s0;
	s0 =	sld [smem:$0x7F6]  }
0xa4: {  	s2 =	sand.u32 $0x380, s2  }
0xa5: {  	s2 =	sor.u32 s2, s5  }
0xa6: {  	s2 =	sshrl.u32 s2, $0x3;
	s0 =	sshrl.u32 s0, $0x3  }
0xa7: {  	s2 =	sadd.s32 s1, s2;
	[dreg:$0x14] =	wrdreg s0  }
0xa8: {  	[spmem:s0@s7], [sflag:s3] =	dma.strided [hbm:s2@s7], $0x190, s8, $0x10   }
0xa9: {  	(v2sf) =	vpush v2, $0x2;
	_ =	sdelay $0xe  }
0xaa: {  	s2 =	spop (v2sf)  }
0xab: {  	s0 =	sshrl.u32 s2, $0x3  }
0xac: {  	s2 =	sshll.u32 s2, $0x7;
	s5 =	smul.u32 $0x6400, s0;
	s0 =	sld [smem:$0x7F7]  }
0xad: {  	s2 =	sand.u32 $0x380, s2  }
0xae: {  	s2 =	sor.u32 s2, s5  }
0xaf: {  	s2 =	sshrl.u32 s2, $0x3;
	s0 =	sshrl.u32 s0, $0x3  }
0xb0: {  	s2 =	sadd.s32 s1, s2;
	[dreg:$0x15] =	wrdreg s0  }
0xb1: {  	[spmem:s0@s7], [sflag:s3] =	dma.strided [hbm:s2@s7], $0x190, s8, $0x10   }
0xb2: {  	(v2sf) =	vpush v2, $0x3;
	_ =	sdelay $0xe  }
0xb3: {  	s2 =	spop (v2sf)  }
0xb4: {  	s0 =	sshrl.u32 s2, $0x3  }
0xb5: {  	s2 =	sshll.u32 s2, $0x7;
	s5 =	smul.u32 $0x6400, s0;
	s0 =	sld [smem:$0x7F8]  }
0xb6: {  	s2 =	sand.u32 $0x380, s2  }
0xb7: {  	s2 =	sor.u32 s2, s5  }
0xb8: {  	s2 =	sshrl.u32 s2, $0x3;
	s0 =	sshrl.u32 s0, $0x3  }
0xb9: {  	s2 =	sadd.s32 s1, s2;
	[dreg:$0x16] =	wrdreg s0  }
0xba: {  	[spmem:s0@s7], [sflag:s3] =	dma.strided [hbm:s2@s7], $0x190, s8, $0x10   }
0xbb: {  	(v2sf) =	vpush v2, $0x4;
	_ =	sdelay $0xe  }
0xbc: {  	s2 =	spop (v2sf)  }
0xbd: {  	s0 =	sshrl.u32 s2, $0x3  }
0xbe: {  	s2 =	sshll.u32 s2, $0x7;
	s5 =	smul.u32 $0x6400, s0;
	s0 =	sld [smem:$0x7F9]  }
0xbf: {  	s2 =	sand.u32 $0x380, s2  }
0xc0: {  	s2 =	sor.u32 s2, s5  }
0xc1: {  	s2 =	sshrl.u32 s2, $0x3;
	s0 =	sshrl.u32 s0, $0x3  }
0xc2: {  	s2 =	sadd.s32 s1, s2;
	[dreg:$0x17] =	wrdreg s0  }
0xc3: {  	[spmem:s0@s7], [sflag:s3] =	dma.strided [hbm:s2@s7], $0x190, s8, $0x10   }
0xc4: {  	(v2sf) =	vpush v2, $0x5;
	_ =	sdelay $0xe  }
0xc5: {  	s2 =	spop (v2sf)  }
0xc6: {  	s0 =	sshrl.u32 s2, $0x3  }
0xc7: {  	s2 =	sshll.u32 s2, $0x7;
	s5 =	smul.u32 $0x6400, s0;
	s0 =	sld [smem:$0x7FA]  }
0xc8: {  	s2 =	sand.u32 $0x380, s2  }
0xc9: {  	s2 =	sor.u32 s2, s5  }
0xca: {  	s2 =	sshrl.u32 s2, $0x3;
	s0 =	sshrl.u32 s0, $0x3  }
0xcb: {  	s2 =	sadd.s32 s1, s2;
	[dreg:$0x18] =	wrdreg s0  }
0xcc: {  	[spmem:s0@s7], [sflag:s3] =	dma.strided [hbm:s2@s7], $0x190, s8, $0x10   }
0xcd: {  	(v2sf) =	vpush v2, $0x6;
	_ =	sdelay $0xe  }
0xce: {  	s2 =	spop (v2sf)  }
0xcf: {  	s0 =	sshrl.u32 s2, $0x3  }
0xd0: {  	s2 =	sshll.u32 s2, $0x7;
	s5 =	smul.u32 $0x6400, s0;
	s0 =	sld [smem:$0x7FB]  }
0xd1: {  	s2 =	sand.u32 $0x380, s2  }
0xd2: {  	s2 =	sor.u32 s2, s5  }
0xd3: {  	s2 =	sshrl.u32 s2, $0x3;
	s0 =	sshrl.u32 s0, $0x3  }
0xd4: {  	s2 =	sadd.s32 s1, s2;
	[dreg:$0x19] =	wrdreg s0  }
0xd5: {  	[spmem:s0@s7], [sflag:s3] =	dma.strided [hbm:s2@s7], $0x190, s8, $0x10   }
0xd6: {  	(v2sf) =	vpush v2, $0x7;
	_ =	sdelay $0xe  }
0xd7: {  	s2 =	spop (v2sf)  }
0xd8: {  	s0 =	sshrl.u32 s2, $0x3  }
0xd9: {  	s2 =	sshll.u32 s2, $0x7;
	s5 =	smul.u32 $0x6400, s0;
	s0 =	sld [smem:$0x7FD]  }
0xda: {  	s2 =	sand.u32 $0x380, s2  }
0xdb: {  	s2 =	sor.u32 s2, s5  }
0xdc: {  	[dreg:$0xf] =	wrdreg s3;
	s2 =	sshrl.u32 s2, $0x3;
	s0 =	sshrl.u32 s0, $0x3  }
0xdd: {  	s2 =	sadd.s32 s1, s2;
	[dreg:$0x1a] =	wrdreg s0  }
0xde: {  	[spmem:s0@s7], [sflag:s3] =	dma.strided [hbm:s2@s7], $0x190, s8, $0x10   }
0xdf: {  	v2 =	vld.msk [tilespmem:$0x108], $0xff;
	_ =	sdelay $0x4  }
0xe0: {  	v3 =	vshrl.u32 v2, $0x3  }
0xe1: {  	v3 =	vmul.u32 $0xC8, v3  }
0xe2: {  	v2 =	vand.u32 $0x7, v2  }
0xe3: {  	v2 =	vor.u32 v2, v3  }
0xe4: {  	v2 =	vperm.xlane v2, v0;
	_ =	sdelay $0x1  }
0xe5: {  	v2 =	vadd.s32 v1, v2;
	_ =	sdelay $0x3  }
0xe6: {  	s3 =	simm.s32 $0x6600  }
0xe7: {  	[tilespmem:s3], [sflag:$0x2] =	stream.indirect_vreg.gather [hbm4b:s1+s4], $0x80, v2, vm1, $0xb8;
	[tilespmem:$0x19200] =	vst v63  }
0xe8: {  	s5 =	simm.s32 $0x6E00  }
0xe9: {  	[tilespmem:s5], [sflag:$0x2] =	stream.indirect_vreg.gather [hbm4b:s20+s4], $0x80, v2, vm1, $0xb8;
	[tilespmem:$0x19200] =	vst v63  }
0xea: {  	s2 =	simm.s32 $0x7600  }
0xeb: {  	[tilespmem:s2], [sflag:$0x2] =	stream.indirect_vreg.gather [hbm4b:s21+s4], $0x80, v2, vm1, $0xb8;
	[tilespmem:$0x19200] =	vst v63  }
0xec: {  	s3 =	simm.s32 $0x7E00  }
0xed: {  	[tilespmem:s3], [sflag:$0x2] =	stream.indirect_vreg.gather [hbm4b:s26+s4], $0x80, v2, vm1, $0xb8;
	[tilespmem:$0x19200] =	vst v63  }
0xee: {  	s5 =	simm.s32 $0x8600  }
0xef: {  	[tilespmem:s5], [sflag:$0x2] =	stream.indirect_vreg.gather [hbm4b:s28+s4], $0x80, v2, vm1, $0xb8;
	[tilespmem:$0x19200] =	vst v63  }
0xf0: {  	s2 =	simm.s32 $0x8E00  }
0xf1: {  	[tilespmem:s2], [sflag:$0x2] =	stream.indirect_vreg.gather [hbm4b:s29+s4], $0x80, v2, vm1, $0xb8;
	[tilespmem:$0x19200] =	vst v63  }
0xf2: {  	s3 =	simm.s32 $0x9600  }
0xf3: {  	[tilespmem:s3], [sflag:$0x2] =	stream.indirect_vreg.gather [hbm4b:s30+s4], $0x80, v2, vm1, $0xb8;
	[tilespmem:$0x19200] =	vst v63  }
0xf4: {  	s5 =	simm.s32 $0x9E00  }
0xf5: {  	[tilespmem:s5], [sflag:$0x2] =	stream.indirect_vreg.gather [hbm4b:s31+s4], $0x80, v2, vm1, $0xb8;
	[tilespmem:$0x19200] =	vst v63  }
0xf6: {  	s2 =	simm.s32 $0xA600  }
0xf7: {  	[tilespmem:s2], [sflag:$0x2] =	stream.indirect_vreg.gather [hbm4b:s10+s4], $0x80, v2, vm1, $0xb8;
	[tilespmem:$0x19200] =	vst v63  }
0xf8: {  	s3 =	simm.s32 $0xAE00  }
0xf9: {  	[tilespmem:s3], [sflag:$0x2] =	stream.indirect_vreg.gather [hbm4b:s13+s4], $0x80, v2, vm1, $0xb8;
	[tilespmem:$0x19200] =	vst v63  }
0xfa: {  	s5 =	simm.s32 $0xB600  }
0xfb: {  	[tilespmem:s5], [sflag:$0x2] =	stream.indirect_vreg.gather [hbm4b:s23+s4], $0x80, v2, vm1, $0xb8;
	[tilespmem:$0x19200] =	vst v63  }
0xfc: {  	s2 =	simm.s32 $0xBE00  }
0xfd: {  	[tilespmem:s2], [sflag:$0x2] =	stream.indirect_vreg.gather [hbm4b:s6+s4], $0x80, v2, vm1, $0xb8;
	[tilespmem:$0x19200] =	vst v63  }
0xfe: {  	s3 =	rddreg [dreg:$0x8];
	s5 =	simm.s32 $0xC600;
	s2 =	simm.s32 $0x5  }
0xff: {  	[tilespmem:s5], [sflag:$0x2] =	stream.indirect_vreg.gather [hbm4b:s3+s4], $0x80, v2, vm0, $0xb8;
	[tilespmem:$0x19200] =	vst v63  }
0x100: {  	_ =	swait.ge [sflag:s2], $0xC80  }
0x101: {  	s5 =	sld [smem:$0x7F0]  }
0x102: {  	s3 =	sor.u32 $0x1C07, s12;
	[sflag:s2] =	ssyncset.done $0x0  }
0x103: {  	[dreg:$0x1b] =	wrdreg s3;
	[sflag:s2] =	ssyncadd.s32 $0xFFFFF380  }
0x104: {  	[hbm:s5], [sflag:s3] =	dma.local [spmem:s11], $0xC80  }
0x105: {  	_ =	swait.ge [sflag:s8], $0x6400  }
0x106: {  	s12 =	sld [smem:$0x7F1]  }
0x107: {  	[sflag:s8] =	ssyncset.done $0x0  }
0x108: {  	s2 =	simm.s32 $0x3;
	[sflag:s8] =	ssyncadd.s32 $0xFFFF9C00  }
0x109: {  	[hbm4b:s12+s4] =	stream.linear.scatter [tilespmem:s9], [sflag:$0x3], $0x6400, $0x38;
	[tilespmem:$0x19200] =	vst v63  }
0x10a: {  	_ =	swait.ge [sflag:s2], $0x6400  }
0x10b: {  	[sflag:s2] =	ssyncset.done $0x0  }
0x10c: {  	s5 =	simm.s32 $0x110;
	[sflag:s2] =	ssyncadd.s32 $0xFFFF9C00  }
0x10d: {  	v2 =	vld.msk [tilespmem:s5+$0x0], $0xff;
	_ =	sdelay $0x4  }
0x10e: {  	v3 =	vshrl.u32 v2, $0x3  }
0x10f: {  	v3 =	vmul.u32 $0xC8, v3  }
0x110: {  	v2 =	vand.u32 $0x7, v2  }
0x111: {  	v2 =	vor.u32 v2, v3  }
0x112: {  	v2 =	vperm.xlane v2, v0;
	_ =	sdelay $0x1  }
0x113: {  	v2 =	vadd.s32 v1, v2;
	_ =	sdelay $0x4  }
0x114: {  	[tilespmem:s9], [sflag:$0x1] =	stream.indirect_vreg.gather [hbm4b:s1+s4], $0x80, v2, vm1, $0xb8;
	[tilespmem:$0x19200] =	vst v63  }
0x115: {  	s3 =	simm.s32 $0xA00  }
0x116: {  	[tilespmem:s3], [sflag:$0x1] =	stream.indirect_vreg.gather [hbm4b:s20+s4], $0x80, v2, vm1, $0xb8;
	[tilespmem:$0x19200] =	vst v63  }
0x117: {  	s9 =	simm.s32 $0x1200  }
0x118: {  	[tilespmem:s9], [sflag:$0x1] =	stream.indirect_vreg.gather [hbm4b:s21+s4], $0x80, v2, vm1, $0xb8;
	[tilespmem:$0x19200] =	vst v63  }
0x119: {  	_ = 	snop  }
0x11a: {  	[tilespmem:s14], [sflag:$0x1] =	stream.indirect_vreg.gather [hbm4b:s26+s4], $0x80, v2, vm1, $0xb8;
	[tilespmem:$0x19200] =	vst v63  }
0x11b: {  	_ = 	snop  }
0x11c: {  	[tilespmem:s15], [sflag:$0x1] =	stream.indirect_vreg.gather [hbm4b:s28+s4], $0x80, v2, vm1, $0xb8;
	[tilespmem:$0x19200] =	vst v63  }
0x11d: {  	s12 =	simm.s32 $0x2A00  }
0x11e: {  	[tilespmem:s12], [sflag:$0x1] =	stream.indirect_vreg.gather [hbm4b:s29+s4], $0x80, v2, vm1, $0xb8;
	[tilespmem:$0x19200] =	vst v63  }
0x11f: {  	_ = 	snop  }
0x120: {  	[tilespmem:s17], [sflag:$0x1] =	stream.indirect_vreg.gather [hbm4b:s30+s4], $0x80, v2, vm1, $0xb8;
	[tilespmem:$0x19200] =	vst v63  }
0x121: {  	_ = 	snop  }
0x122: {  	[tilespmem:s19], [sflag:$0x1] =	stream.indirect_vreg.gather [hbm4b:s31+s4], $0x80, v2, vm1, $0xb8;
	[tilespmem:$0x19200] =	vst v63  }
0x123: {  	_ = 	snop  }
0x124: {  	[tilespmem:s22], [sflag:$0x1] =	stream.indirect_vreg.gather [hbm4b:s10+s4], $0x80, v2, vm1, $0xb8;
	[tilespmem:$0x19200] =	vst v63  }
0x125: {  	s3 =	rddreg [dreg:$0x1f]  }
0x126: {  	[tilespmem:s24], [sflag:$0x1] =	stream.indirect_vreg.gather [hbm4b:s13+s4], $0x80, v2, vm1, $0xb8;
	[tilespmem:$0x19200] =	vst v63  }
0x127: {  	s15 =	sor.u32 $0x21, s3  }
0x128: {  	[tilespmem:s25], [sflag:$0x1] =	stream.indirect_vreg.gather [hbm4b:s23+s4], $0x80, v2, vm1, $0xb8;
	[tilespmem:$0x19200] =	vst v63  }
0x129: {  	s14 =	simm.s32 $0x5A00;
	s2 =	smul.u32 $0xC80, s15  }
0x12a: {  	[tilespmem:s14], [sflag:$0x1] =	stream.indirect_vreg.gather [hbm4b:s6+s4], $0x80, v2, vm1, $0xb8;
	[tilespmem:$0x19200] =	vst v63  }
0x12b: {  	s17 =	rddreg [dreg:$0x8];
	s19 =	simm.s32 $0x6200;
	s22 =	simm.s32 $0x2  }
0x12c: {  	[tilespmem:s19], [sflag:$0x1] =	stream.indirect_vreg.gather [hbm4b:s17+s4], $0x80, v2, vm0, $0xb8;
	[tilespmem:$0x19200] =	vst v63  }
0x12d: {  	_ =	swait.ge [sflag:s22], $0x6400  }
0x12e: {  	s2 =	sadd.s32 s18, s2;
	[sflag:s22] =	ssyncset.done $0x0  }
0x12f: {  	s24 =	simm.s32 $0x6600;
	s25 =	simm.s32 $0x7;
	[sflag:s22] =	ssyncadd.s32 $0xFFFF9C00  }
0x130: {  	[hbm4b:s2+s4] =	stream.linear.scatter [tilespmem:s24], [sflag:$0x4], $0x6400, $0x38;
	[tilespmem:$0x19200] =	vst v63  }
0x131: {  	_ =	swait.ge [sflag:s25], $0xC80  }
0x132: {  	[sflag:s25] =	ssyncset.done $0x0  }
0x133: {  	[sflag:s25] =	ssyncadd.s32 $0xFFFFF380  }
0x134: {  	v2 =	vld.msk [tilespmem:s5+$0xFFFFFF00], $0xff;
	_ =	sdelay $0x4  }
0x135: {  	(v2sf) =	vpush v2, $0x6  }
0x136: {  	(v2sf) =	vpush v2, $0x5  }
0x137: {  	(v2sf) =	vpush v2, $0x3  }
0x138: {  	(v2sf) =	vpush v2, $0x1  }
0x139: {  	(v2sf) =	vpush v2, $0x2  }
0x13a: {  	(v2sf) =	vpush v2, $0x0;
	_ =	sdelay $0x4  }
0x13b: {  	(v2sf) =	vpush v2, $0x4  }
0x13c: {  	(v2sf) =	vpush v2, $0x7;
	_ =	sdelay $0x3  }
0x13d: {  	s22 =	spop (v2sf)  }
0x13e: {  	s24 =	spop (v2sf)  }
0x13f: {  	s14 =	spop (v2sf)  }
0x140: {  	s19 =	spop (v2sf)  }
0x141: {  	s25 =	spop (v2sf)  }
0x142: {  	s0 =	spop (v2sf)  }
0x143: {  	s9 =	smov.u32 s6;
	s12 =	sshrl.u32 s0, $0x3  }
0x144: {  	s2 =	sshll.u32 s0, $0x7;
	s0 =	sshrl.u32 s19, $0x3;
	s6 =	smul.u32 $0x6400, s12  }
0x145: {  	s19 =	sshll.u32 s19, $0x7;
	s2 =	sand.u32 $0x380, s2;
	s12 =	smul.u32 $0x6400, s0  }
0x146: {  	[dreg:$0x9] =	wrdreg s11;
	s2 =	sor.u32 s2, s6;
	s6 =	sand.u32 $0x380, s19  }
0x147: {  	s19 =	spop (v2sf);
	s2 =	sshrl.u32 s2, $0x3;
	s6 =	sor.u32 s6, s12  }
0x148: {  	s12 =	spop (v2sf);
	s2 =	sadd.s32 s1, s2;
	s0 =	sshrl.u32 s6, $0x3  }
0x149: {  	[spmem:s11@s7], [sflag:s16] =	dma.strided [hbm:s2@s7], $0x190, s8, $0x10   }
0x14a: {  	s2 =	sadd.s32 s1, s0;
	s11 =	sshrl.u32 s25, $0x3;
	s6 =	rddreg [dreg:$0xb]  }
0x14b: {  	[spmem:s6@s7], [sflag:s16] =	dma.strided [hbm:s2@s7], $0x190, s8, $0x10   }
0x14c: {  	s0 =	sshll.u32 s25, $0x7;
	s2 =	smul.u32 $0x6400, s11;
	s11 =	sshrl.u32 s14, $0x3  }
0x14d: {  	s6 =	sand.u32 $0x380, s0;
	s14 =	sshll.u32 s14, $0x7;
	s0 =	smul.u32 $0x6400, s11  }
0x14e: {  	s25 =	sshll.u32 s24, $0x7;
	s2 =	sor.u32 s6, s2;
	s6 =	sand.u32 $0x380, s14  }
0x14f: {  	s11 =	sshrl.u32 s19, $0x3;
	s2 =	sshrl.u32 s2, $0x3;
	s6 =	sor.u32 s6, s0  }
0x150: {  	s0 =	rddreg [dreg:$0xd];
	s2 =	sadd.s32 s1, s2;
	s6 =	sshrl.u32 s6, $0x3  }
0x151: {  	[spmem:s0@s7], [sflag:s16] =	dma.strided [hbm:s2@s7], $0x190, s8, $0x10   }
0x152: {  	s14 =	sshll.u32 s19, $0x7;
	s2 =	sadd.s32 s1, s6;
	s0 =	rddreg [dreg:$0xe]  }
0x153: {  	[spmem:s0@s7], [sflag:s16] =	dma.strided [hbm:s2@s7], $0x190, s8, $0x10   }
0x154: {  	s19 =	sshrl.u32 s24, $0x3;
	s24 =	sshrl.u32 s12, $0x3;
	s2 =	smul.u32 $0x6400, s11  }
0x155: {  	s12 =	sshll.u32 s12, $0x7;
	s6 =	sand.u32 $0x380, s14;
	s14 =	sand.u32 $0x380, s25  }
0x156: {  	s11 =	sshll.u32 s22, $0x7;
	s2 =	sor.u32 s6, s2;
	s6 =	smul.u32 $0x6400, s19  }
0x157: {  	s25 =	smul.u32 $0x6400, s24;
	s0 =	sshrl.u32 s22, $0x3;
	s22 =	sand.u32 $0x380, s11  }
0x158: {  	s19 =	smul.u32 $0x6400, s0;
	s2 =	sshrl.u32 s2, $0x3;
	s6 =	sor.u32 s14, s6  }
0x159: {  	s0 =	rddreg [dreg:$0x10];
	s2 =	sadd.s32 s1, s2;
	s6 =	sshrl.u32 s6, $0x3  }
0x15a: {  	[spmem:s0@s7], [sflag:s16] =	dma.strided [hbm:s2@s7], $0x190, s8, $0x10   }
0x15b: {  	s14 =	sor.u32 s22, s19;
	s6 =	sadd.s32 s1, s6;
	s0 =	rddreg [dreg:$0x11]  }
0x15c: {  	[spmem:s0@s7], [sflag:s16] =	dma.strided [hbm:s6@s7], $0x190, s8, $0x10   }
0x15d: {  	s12 =	sand.u32 $0x380, s12;
	s0 =	sshrl.u32 s14, $0x3  }
0x15e: {  	s12 =	sor.u32 s12, s25;
	s2 =	sadd.s32 s1, s0;
	s0 =	rddreg [dreg:$0x12]  }
0x15f: {  	[spmem:s0@s7], [sflag:s16] =	dma.strided [hbm:s2@s7], $0x190, s8, $0x10   }
0x160: {  	s11 =	sshrl.u32 s12, $0x3;
	[dreg:$0xa] =	wrdreg s16  }
0x161: {  	s12 =	simm.s32 $0x6;
	s6 =	sadd.s32 s1, s11;
	s0 =	rddreg [dreg:$0x13]  }
0x162: {  	[spmem:s0@s7], [sflag:s16] =	dma.strided [hbm:s6@s7], $0x190, s8, $0x10   }
0x163: {  	_ =	swait.ge [sflag:s12], $0xC80  }
0x164: {  	s16 =	sld [smem:$0x7E7];
	_ =	sdelay $0x1  }
0x165: {  	s22 =	simm.s32 $0x4;
	s14 =	rddreg [dreg:$0x5]  }
0x166: {  	[sflag:s12] =	ssyncset.done $0x0;
	s19 =	rddreg [dreg:$0xc];
	s0 =	sor.u32 $0x1C08, s16  }
0x167: {  	[sflag:s12] =	ssyncadd.s32 $0xFFFFF380;
	s2 =	sadd.s32 $0x0, s14;
	[dreg:$0x1d] =	wrdreg s0  }
0x168: {  	[hbm:s2], [sflag:s0] =	dma.local [spmem:s19], $0xC80  }
0x169: {  	_ =	swait.ge [sflag:s22], $0x6400  }
0x16a: {  	[sflag:s22] =	ssyncset.done $0x0  }
0x16b: {  	[sflag:s22] =	ssyncadd.s32 $0xFFFF9C00  }
0x16c: {  	v2 =	vld.msk [tilespmem:s5+$0x8], $0xff;
	_ =	sdelay $0x4  }
0x16d: {  	v3 =	vshrl.u32 v2, $0x3  }
0x16e: {  	v3 =	vmul.u32 $0xC8, v3  }
0x16f: {  	v2 =	vand.u32 $0x7, v2  }
0x170: {  	v2 =	vor.u32 v2, v3  }
0x171: {  	v2 =	vperm.xlane v2, v0;
	_ =	sdelay $0x1  }
0x172: {  	v2 =	vadd.s32 v1, v2;
	_ =	sdelay $0x3  }
0x173: {  	s17 =	simm.s32 $0x6600  }
0x174: {  	[tilespmem:s17], [sflag:$0x2] =	stream.indirect_vreg.gather [hbm4b:s1+s4], $0x80, v2, vm1, $0xb8;
	[tilespmem:$0x19200] =	vst v63  }
0x175: {  	s24 =	simm.s32 $0x6E00  }
0x176: {  	[tilespmem:s24], [sflag:$0x2] =	stream.indirect_vreg.gather [hbm4b:s20+s4], $0x80, v2, vm1, $0xb8;
	[tilespmem:$0x19200] =	vst v63  }
0x177: {  	s25 =	simm.s32 $0x7600  }
0x178: {  	[tilespmem:s25], [sflag:$0x2] =	stream.indirect_vreg.gather [hbm4b:s21+s4], $0x80, v2, vm1, $0xb8;
	[tilespmem:$0x19200] =	vst v63  }
0x179: {  	s2 =	simm.s32 $0x7E00  }
0x17a: {  	[tilespmem:s2], [sflag:$0x2] =	stream.indirect_vreg.gather [hbm4b:s26+s4], $0x80, v2, vm1, $0xb8;
	[tilespmem:$0x19200] =	vst v63  }
0x17b: {  	s6 =	simm.s32 $0x8600  }
0x17c: {  	[tilespmem:s6], [sflag:$0x2] =	stream.indirect_vreg.gather [hbm4b:s28+s4], $0x80, v2, vm1, $0xb8;
	[tilespmem:$0x19200] =	vst v63  }
0x17d: {  	s7 =	simm.s32 $0x8E00  }
0x17e: {  	[tilespmem:s7], [sflag:$0x2] =	stream.indirect_vreg.gather [hbm4b:s29+s4], $0x80, v2, vm1, $0xb8;
	[tilespmem:$0x19200] =	vst v63  }
0x17f: {  	s11 =	simm.s32 $0x9600  }
0x180: {  	[tilespmem:s11], [sflag:$0x2] =	stream.indirect_vreg.gather [hbm4b:s30+s4], $0x80, v2, vm1, $0xb8;
	[tilespmem:$0x19200] =	vst v63  }
0x181: {  	s12 =	simm.s32 $0x9E00  }
0x182: {  	[tilespmem:s12], [sflag:$0x2] =	stream.indirect_vreg.gather [hbm4b:s31+s4], $0x80, v2, vm1, $0xb8;
	[tilespmem:$0x19200] =	vst v63  }
0x183: {  	s14 =	simm.s32 $0xA600  }
0x184: {  	[tilespmem:s14], [sflag:$0x2] =	stream.indirect_vreg.gather [hbm4b:s10+s4], $0x80, v2, vm1, $0xb8;
	[tilespmem:$0x19200] =	vst v63  }
0x185: {  	s16 =	simm.s32 $0xAE00  }
0x186: {  	[tilespmem:s16], [sflag:$0x2] =	stream.indirect_vreg.gather [hbm4b:s13+s4], $0x80, v2, vm1, $0xb8;
	[tilespmem:$0x19200] =	vst v63  }
0x187: {  	s17 =	simm.s32 $0xB600  }
0x188: {  	[tilespmem:s17], [sflag:$0x2] =	stream.indirect_vreg.gather [hbm4b:s23+s4], $0x80, v2, vm1, $0xb8;
	[tilespmem:$0x19200] =	vst v63  }
0x189: {  	s19 =	simm.s32 $0xBE00  }
0x18a: {  	[tilespmem:s19], [sflag:$0x2] =	stream.indirect_vreg.gather [hbm4b:s9+s4], $0x80, v2, vm1, $0xb8;
	[tilespmem:$0x19200] =	vst v63  }
0x18b: {  	s22 =	simm.s32 $0xC600;
	s1 =	rddreg [dreg:$0x8]  }
0x18c: {  	[tilespmem:s22], [sflag:$0x2] =	stream.indirect_vreg.gather [hbm4b:s1+s4], $0x80, v2, vm0, $0xb8;
	[tilespmem:$0x19200] =	vst v63  }
0x18d: {  	_ =	swait.ge [sflag:s8], $0x6400  }
0x18e: {  	s15 =	simm.s32 $0x200;
	s24 =	rddreg [dreg:$0x7];
	[sflag:s8] =	ssyncset.done $0x0  }
0x18f: {  	s25 =	simm.s32 $0x8;
	[sflag:s8] =	ssyncadd.s32 $0xFFFF9C00;
	s2 =	sadd.s32 $0x0, s24  }
0x190: {  	[hbm4b:s2+s4] =	stream.linear.scatter [tilespmem:s15], [sflag:$0x3], $0x6400, $0x38;
	[tilespmem:$0x19200] =	vst v63  }
0x191: {  	_ =	swait.ge [sflag:s25], $0xC80  }
0x192: {  	[sflag:s25] =	ssyncset.done $0x0  }
0x193: {  	[sflag:s25] =	ssyncadd.s32 $0xFFFFF380  }
0x194: {  	v2 =	vld.msk [tilespmem:s5+$0xFFFFFF08], $0xff;
	_ =	sdelay $0x4  }
0x195: {  	(v2sf) =	vpush v2, $0x0;
	_ =	sdelay $0x8  }
0x196: {  	(v2sf) =	vpush v2, $0x1  }
0x197: {  	(v2sf) =	vpush v2, $0x2  }
0x198: {  	(v2sf) =	vpush v2, $0x3  }
0x199: {  	(v2sf) =	vpush v2, $0x4  }
0x19a: {  	(v2sf) =	vpush v2, $0x5  }
0x19b: {  	s6 =	simm.s32 $0x1900;
	(v2sf) =	vpush v2, $0x6  }
0x19c: {  	s14 =	smov.u32 s3;
	s19 =	simm.s32 $0x0;
	(v2sf) =	vpush v2, $0x7;
	s2 =	spop (v2sf)  }
.LBB2_2:
0x19d: {  	_ =	sdelay $0x7  }
0x19e: {  	s25 =	spop (v2sf)  }
0x19f: {  	s3 =	sshrl.u32 s25, $0x3;
	s7 =	spop (v2sf)  }
0x1a0: {  	s25 =	sshll.u32 s25, $0x7;
	s3 =	smul.u32 $0x6400, s3;
	s8 =	sshrl.u32 s7, $0x3  }
0x1a1: {  	s25 =	sand.u32 $0x380, s25;
	s7 =	sshll.u32 s7, $0x7;
	s17 =	spop (v2sf)  }
0x1a2: {  	s8 =	smul.u32 $0x6400, s8;
	s16 =	sand.u32 $0x380, s7;
	s22 =	sshrl.u32 s17, $0x3  }
0x1a3: {  	s9 =	spop (v2sf);
	s7 =	sshll.u32 s17, $0x7;
	s25 =	sor.u32 s25, s3  }
0x1a4: {  	s7 =	sand.u32 $0x380, s7;
	s12 =	sshrl.u32 s9, $0x3;
	s15 =	spop (v2sf)  }
0x1a5: {  	s9 =	sshll.u32 s9, $0x7;
	s3 =	sor.u32 s16, s8;
	s8 =	smul.u32 $0x6400, s22  }
0x1a6: {  	s24 =	smul.u32 $0x6400, s12;
	s9 =	sand.u32 $0x380, s9;
	s0 =	sshrl.u32 s15, $0x3  }
0x1a7: {  	s16 =	sshll.u32 s15, $0x7;
	s17 =	spop (v2sf);
	s3 =	sshrl.u32 s3, $0x3  }
0x1a8: {  	s11 =	smul.u32 $0x6400, s0;
	s12 =	sand.u32 $0x380, s16;
	s22 =	sshrl.u32 s17, $0x3  }
0x1a9: {  	s15 =	sshll.u32 s17, $0x7;
	s16 =	spop (v2sf);
	s0 =	sshrl.u32 s2, $0x3  }
0x1aa: {  	s7 =	sor.u32 s7, s8;
	s8 =	sor.u32 s9, s24;
	s15 =	sand.u32 $0x380, s15  }
0x1ab: {  	s17 =	sshrl.u32 s16, $0x3;
	s9 =	sor.u32 s12, s11;
	s12 =	smul.u32 $0x6400, s22  }
0x1ac: {  	s16 =	sshll.u32 s16, $0x7;
	s11 =	rddreg [dreg:$0x1];
	s24 =	smul.u32 $0x6400, s17  }
0x1ad: {  	s16 =	sand.u32 $0x380, s16;
	s17 =	smul.u32 $0x6400, s0;
	s22 =	sshll.u32 s2, $0x7  }
0x1ae: {  	s0 =	rddreg [dreg:$0xf];
	s2 =	sand.u32 $0x380, s22;
	s22 =	simm.s32 $0x80  }
0x1af: {  	s12 =	sor.u32 s15, s12;
	s15 =	sor.u32 s16, s24;
	s2 =	sor.u32 s2, s17  }
0x1b0: {  	s24 =	sshrl.u32 s25, $0x3;
	s25 =	rddreg [dreg:$0xc];
	s2 =	sshrl.u32 s2, $0x3  }
0x1b1: {  	s16 =	sadd.s32 s11, s24;
	s24 =	simm.s32 $0x1;
	s2 =	sadd.s32 s11, s2  }
0x1b2: {  	[spmem:s25@s22], [sflag:s0] =	dma.strided [hbm:s2@s22], $0x190, s24, $0x10   }
0x1b3: {  	s7 =	sshrl.u32 s7, $0x3;
	s8 =	sshrl.u32 s8, $0x3;
	s2 =	rddreg [dreg:$0x14]  }
0x1b4: {  	[spmem:s2@s22], [sflag:s0] =	dma.strided [hbm:s16@s22], $0x190, s24, $0x10   }
0x1b5: {  	s9 =	sshrl.u32 s9, $0x3;
	s3 =	sadd.s32 s11, s3;
	s2 =	rddreg [dreg:$0x15]  }
0x1b6: {  	[spmem:s2@s22], [sflag:s0] =	dma.strided [hbm:s3@s22], $0x190, s24, $0x10   }
0x1b7: {  	s8 =	sadd.s32 s11, s8;
	s7 =	sadd.s32 s11, s7;
	s2 =	rddreg [dreg:$0x16]  }
0x1b8: {  	[spmem:s2@s22], [sflag:s0] =	dma.strided [hbm:s7@s22], $0x190, s24, $0x10   }
0x1b9: {  	s9 =	sadd.s32 s11, s9;
	s12 =	sshrl.u32 s12, $0x3;
	s2 =	rddreg [dreg:$0x17]  }
0x1ba: {  	[spmem:s2@s22], [sflag:s0] =	dma.strided [hbm:s8@s22], $0x190, s24, $0x10   }
0x1bb: {  	s15 =	sshrl.u32 s15, $0x3;
	s12 =	sadd.s32 s11, s12;
	s2 =	rddreg [dreg:$0x18]  }
0x1bc: {  	[spmem:s2@s22], [sflag:s0] =	dma.strided [hbm:s9@s22], $0x190, s24, $0x10   }
0x1bd: {  	s15 =	sadd.s32 s11, s15;
	s7 =	smov.u32 s6;
	s2 =	rddreg [dreg:$0x19]  }
0x1be: {  	[spmem:s2@s22], [sflag:s0] =	dma.strided [hbm:s12@s22], $0x190, s24, $0x10   }
0x1bf: {  	s3 =	simm.s32 $0x5;
	s9 =	smov.u32 s7;
	s2 =	rddreg [dreg:$0x1a]  }
0x1c0: {  	[spmem:s2@s22], [sflag:s0] =	dma.strided [hbm:s15@s22], $0x190, s24, $0x10   }
0x1c1: {  	_ =	swait.ge [sflag:s3], $0xC80;
	[dreg:$0x1e] =	wrdreg s9  }
0x1c2: {  	s8 =	rddreg [dreg:$0x6]  }
0x1c3: {  	s15 =	simm.s32 $0x3;
	[sflag:s3] =	ssyncset.done $0x0;
	s12 =	rddreg [dreg:$0x1b]  }
0x1c4: {  	[sflag:s3] =	ssyncadd.s32 $0xFFFFF380;
	s3 =	sadd.s32 s19, s8;
	s19 =	rddreg [dreg:$0x9]  }
0x1c5: {  	[hbm:s3], [sflag:s12] =	dma.local [spmem:s19], $0xC80  }
0x1c6: {  	_ =	swait.ge [sflag:s15], $0x6400  }
0x1c7: {  	[sflag:s15] =	ssyncset.done $0x0  }
0x1c8: {  	s5 =	sadd.s32 $0x10, s5;
	[sflag:s15] =	ssyncadd.s32 $0xFFFF9C00  }
0x1c9: {  	v2 =	vld.msk [tilespmem:s5+$0x0], $0xff;
	_ =	sdelay $0x4  }
0x1ca: {  	v3 =	vshrl.u32 v2, $0x3  }
0x1cb: {  	v3 =	vmul.u32 $0xC8, v3  }
0x1cc: {  	v2 =	vand.u32 $0x7, v2  }
0x1cd: {  	v2 =	vor.u32 v2, v3  }
0x1ce: {  	v2 =	vperm.xlane v2, v0;
	_ =	sdelay $0x1  }
0x1cf: {  	v2 =	vadd.s32 v1, v2;
	_ =	sdelay $0x3  }
0x1d0: {  	s16 =	simm.s32 $0x200  }
0x1d1: {  	[tilespmem:s16], [sflag:$0x1] =	stream.indirect_vreg.gather [hbm4b:s11+s4], $0x80, v2, vm1, $0xb8;
	[tilespmem:$0x19200] =	vst v63  }
0x1d2: {  	s17 =	simm.s32 $0xA00  }
0x1d3: {  	[tilespmem:s17], [sflag:$0x1] =	stream.indirect_vreg.gather [hbm4b:s20+s4], $0x80, v2, vm1, $0xb8;
	[tilespmem:$0x19200] =	vst v63  }
0x1d4: {  	s25 =	simm.s32 $0x1200  }
0x1d5: {  	[tilespmem:s25], [sflag:$0x1] =	stream.indirect_vreg.gather [hbm4b:s21+s4], $0x80, v2, vm1, $0xb8;
	[tilespmem:$0x19200] =	vst v63  }
0x1d6: {  	s2 =	simm.s32 $0x1A00  }
0x1d7: {  	[tilespmem:s2], [sflag:$0x1] =	stream.indirect_vreg.gather [hbm4b:s26+s4], $0x80, v2, vm1, $0xb8;
	[tilespmem:$0x19200] =	vst v63  }
0x1d8: {  	s3 =	simm.s32 $0x2200  }
0x1d9: {  	[tilespmem:s3], [sflag:$0x1] =	stream.indirect_vreg.gather [hbm4b:s28+s4], $0x80, v2, vm1, $0xb8;
	[tilespmem:$0x19200] =	vst v63  }
0x1da: {  	s7 =	simm.s32 $0x2A00  }
0x1db: {  	[tilespmem:s7], [sflag:$0x1] =	stream.indirect_vreg.gather [hbm4b:s29+s4], $0x80, v2, vm1, $0xb8;
	[tilespmem:$0x19200] =	vst v63  }
0x1dc: {  	s8 =	simm.s32 $0x3200  }
0x1dd: {  	[tilespmem:s8], [sflag:$0x1] =	stream.indirect_vreg.gather [hbm4b:s30+s4], $0x80, v2, vm1, $0xb8;
	[tilespmem:$0x19200] =	vst v63  }
0x1de: {  	s9 =	simm.s32 $0x3A00  }
0x1df: {  	[tilespmem:s9], [sflag:$0x1] =	stream.indirect_vreg.gather [hbm4b:s31+s4], $0x80, v2, vm1, $0xb8;
	[tilespmem:$0x19200] =	vst v63  }
0x1e0: {  	s12 =	simm.s32 $0x4200  }
0x1e1: {  	[tilespmem:s12], [sflag:$0x1] =	stream.indirect_vreg.gather [hbm4b:s10+s4], $0x80, v2, vm1, $0xb8;
	[tilespmem:$0x19200] =	vst v63  }
0x1e2: {  	s15 =	simm.s32 $0x4A00  }
0x1e3: {  	[tilespmem:s15], [sflag:$0x1] =	stream.indirect_vreg.gather [hbm4b:s13+s4], $0x80, v2, vm1, $0xb8;
	[tilespmem:$0x19200] =	vst v63  }
0x1e4: {  	s14 =	sadd.s32 $0x2, s14;
	s16 =	simm.s32 $0x5200  }
0x1e5: {  	[tilespmem:s16], [sflag:$0x1] =	stream.indirect_vreg.gather [hbm4b:s23+s4], $0x80, v2, vm1, $0xb8;
	[tilespmem:$0x19200] =	vst v63  }
0x1e6: {  	s17 =	simm.s32 $0x5A00;
	s25 =	rddreg [dreg:$0x1c];
	s3 =	sor.u32 $0x21, s14  }
0x1e7: {  	[tilespmem:s17], [sflag:$0x1] =	stream.indirect_vreg.gather [hbm4b:s25+s4], $0x80, v2, vm1, $0xb8;
	[tilespmem:$0x19200] =	vst v63  }
0x1e8: {  	s2 =	smul.u32 $0xC80, s3;
	s7 =	simm.s32 $0x6200;
	s8 =	simm.s32 $0x2  }
0x1e9: {  	[tilespmem:s7], [sflag:$0x1] =	stream.indirect_vreg.gather [hbm4b:s1+s4], $0x80, v2, vm0, $0xb8;
	[tilespmem:$0x19200] =	vst v63  }
0x1ea: {  	_ =	swait.ge [sflag:s8], $0x6400  }
0x1eb: {  	s2 =	sadd.s32 s18, s2;
	[sflag:s8] =	ssyncset.done $0x0  }
0x1ec: {  	s9 =	simm.s32 $0x6600;
	s12 =	simm.s32 $0x7;
	[sflag:s8] =	ssyncadd.s32 $0xFFFF9C00  }
0x1ed: {  	[hbm4b:s2+s4] =	stream.linear.scatter [tilespmem:s9], [sflag:$0x4], $0x6400, $0x38;
	[tilespmem:$0x19200] =	vst v63  }
0x1ee: {  	_ =	swait.ge [sflag:s12], $0xC80  }
0x1ef: {  	[sflag:s12] =	ssyncset.done $0x0  }
0x1f0: {  	[sflag:s12] =	ssyncadd.s32 $0xFFFFF380  }
0x1f1: {  	v2 =	vld.msk [tilespmem:s5+$0xFFFFFF00], $0xff;
	_ =	sdelay $0x4  }
0x1f2: {  	(v2sf) =	vpush v2, $0x6  }
0x1f3: {  	(v2sf) =	vpush v2, $0x5  }
0x1f4: {  	(v2sf) =	vpush v2, $0x3;
	_ =	sdelay $0x1  }
0x1f5: {  	(v2sf) =	vpush v2, $0x1;
	_ =	sdelay $0x2  }
0x1f6: {  	(v2sf) =	vpush v2, $0x2  }
0x1f7: {  	(v2sf) =	vpush v2, $0x0;
	_ =	sdelay $0x6  }
0x1f8: {  	(v2sf) =	vpush v2, $0x4;
	s2 =	spop (v2sf)  }
0x1f9: {  	s15 =	spop (v2sf)  }
0x1fa: {  	s17 =	spop (v2sf)  }
0x1fb: {  	s16 =	sshrl.u32 s15, $0x3;
	s3 =	sshll.u32 s15, $0x7;
	s9 =	sshrl.u32 s17, $0x3  }
0x1fc: {  	s7 =	smul.u32 $0x6400, s16;
	s25 =	spop (v2sf);
	s8 =	sshll.u32 s17, $0x7  }
0x1fd: {  	s17 =	sshrl.u32 s2, $0x3;
	s2 =	sshll.u32 s2, $0x7;
	s3 =	sand.u32 $0x380, s3  }
0x1fe: {  	s0 =	sshrl.u32 s25, $0x3;
	s12 =	sshll.u32 s25, $0x7;
	s17 =	smul.u32 $0x6400, s17  }
0x1ff: {  	(v2sf) =	vpush v2, $0x7;
	s16 =	spop (v2sf);
	s2 =	sand.u32 $0x380, s2;
	s9 =	smul.u32 $0x6400, s9  }
0x200: {  	s8 =	sand.u32 $0x380, s8;
	s25 =	spop (v2sf);
	s15 =	smul.u32 $0x6400, s0  }
0x201: {  	s0 =	smov.u32 s30;
	s30 =	smov.u32 s28;
	s28 =	smov.u32 s21  }
0x202: {  	s21 =	smov.u32 s18;
	s1 =	sshrl.u32 s16, $0x3;
	s12 =	sand.u32 $0x380, s12  }
0x203: {  	s16 =	sshll.u32 s16, $0x7;
	s3 =	sor.u32 s3, s7;
	s18 =	smul.u32 $0x6400, s1  }
0x204: {  	s1 =	sand.u32 $0x380, s16;
	s16 =	sshll.u32 s25, $0x7;
	s8 =	sor.u32 s8, s9  }
0x205: {  	s2 =	sor.u32 s2, s17;
	s17 =	rddreg [dreg:$0xa];
	s3 =	sshrl.u32 s3, $0x3  }
0x206: {  	s12 =	sor.u32 s12, s15;
	s16 =	sand.u32 $0x380, s16;
	s8 =	sshrl.u32 s8, $0x3  }
0x207: {  	s15 =	sor.u32 s1, s18;
	s1 =	sshrl.u32 s25, $0x3;
	s25 =	spop (v2sf)  }
0x208: {  	s12 =	sshrl.u32 s12, $0x3;
	s8 =	sadd.s32 s11, s8;
	s15 =	sshrl.u32 s15, $0x3  }
0x209: {  	s18 =	smul.u32 $0x6400, s1;
	s1 =	smov.u32 s23;
	s23 =	smov.u32 s13  }
0x20a: {  	s13 =	smov.u32 s10;
	s10 =	smov.u32 s31;
	s31 =	smov.u32 s29  }
0x20b: {  	s29 =	smov.u32 s26;
	s26 =	smov.u32 s20;
	s20 =	sshrl.u32 s25, $0x3  }
0x20c: {  	s25 =	sshll.u32 s25, $0x7;
	s20 =	smul.u32 $0x6400, s20;
	s16 =	sor.u32 s16, s18  }
0x20d: {  	s12 =	sadd.s32 s11, s12;
	s18 =	sand.u32 $0x380, s25;
	s16 =	sshrl.u32 s16, $0x3  }
0x20e: {  	s9 =	sor.u32 s18, s20;
	s16 =	sadd.s32 s11, s16;
	s25 =	spop (v2sf)  }
0x20f: {  	[spmem:s19@s22], [sflag:s17] =	dma.strided [hbm:s16@s22], $0x190, s24, $0x10   }
0x210: {  	s15 =	sadd.s32 s11, s15;
	s9 =	sshrl.u32 s9, $0x3;
	s19 =	rddreg [dreg:$0x1e]  }
0x211: {  	s20 =	sshrl.u32 s25, $0x3;
	s18 =	sshll.u32 s25, $0x7;
	s25 =	rddreg [dreg:$0xb]  }
0x212: {  	[spmem:s25@s22], [sflag:s17] =	dma.strided [hbm:s12@s22], $0x190, s24, $0x10   }
0x213: {  	s12 =	smul.u32 $0x6400, s20;
	s20 =	smov.u32 s26;
	s26 =	smov.u32 s29  }
0x214: {  	s29 =	smov.u32 s31;
	s31 =	smov.u32 s10;
	s10 =	smov.u32 s13  }
0x215: {  	s13 =	smov.u32 s23;
	s23 =	smov.u32 s1;
	s7 =	rddreg [dreg:$0xd]  }
0x216: {  	[spmem:s7@s22], [sflag:s17] =	dma.strided [hbm:s15@s22], $0x190, s24, $0x10   }
0x217: {  	s7 =	sadd.s32 s11, s9;
	s15 =	sand.u32 $0x380, s18;
	s1 =	rddreg [dreg:$0x8]  }
0x218: {  	s18 =	smov.u32 s21;
	s21 =	smov.u32 s28;
	s16 =	rddreg [dreg:$0xe]  }
0x219: {  	[spmem:s16@s22], [sflag:s17] =	dma.strided [hbm:s8@s22], $0x190, s24, $0x10   }
0x21a: {  	s28 =	smov.u32 s30;
	s30 =	smov.u32 s0;
	s0 =	rddreg [dreg:$0x10]  }
0x21b: {  	[spmem:s0@s22], [sflag:s17] =	dma.strided [hbm:s7@s22], $0x190, s24, $0x10   }
0x21c: {  	s3 =	sadd.s32 s11, s3;
	s25 =	sor.u32 s15, s12;
	s0 =	rddreg [dreg:$0x11]  }
0x21d: {  	[spmem:s0@s22], [sflag:s17] =	dma.strided [hbm:s3@s22], $0x190, s24, $0x10   }
0x21e: {  	s2 =	sshrl.u32 s2, $0x3;
	s0 =	sshrl.u32 s25, $0x3  }
0x21f: {  	s2 =	sadd.s32 s11, s2;
	s3 =	sadd.s32 s11, s0;
	s0 =	rddreg [dreg:$0x12]  }
0x220: {  	[spmem:s0@s22], [sflag:s17] =	dma.strided [hbm:s2@s22], $0x190, s24, $0x10   }
0x221: {  	s2 =	simm.s32 $0x6;
	s0 =	rddreg [dreg:$0x13]  }
0x222: {  	[spmem:s0@s22], [sflag:s17] =	dma.strided [hbm:s3@s22], $0x190, s24, $0x10   }
0x223: {  	_ =	swait.ge [sflag:s2], $0xC80  }
0x224: {  	s3 =	rddreg [dreg:$0x5]  }
0x225: {  	s9 =	simm.s32 $0x4;
	[sflag:s2] =	ssyncset.done $0x0;
	s7 =	rddreg [dreg:$0x1d]  }
0x226: {  	s8 =	rddreg [dreg:$0xc];
	[sflag:s2] =	ssyncadd.s32 $0xFFFFF380;
	s2 =	sadd.s32 s19, s3  }
0x227: {  	[hbm:s2], [sflag:s7] =	dma.local [spmem:s8], $0xC80  }
0x228: {  	_ =	swait.ge [sflag:s9], $0x6400  }
0x229: {  	[sflag:s9] =	ssyncset.done $0x0  }
0x22a: {  	[sflag:s9] =	ssyncadd.s32 $0xFFFF9C00  }
0x22b: {  	v2 =	vld.msk [tilespmem:s5+$0x8], $0xff;
	_ =	sdelay $0x4  }
0x22c: {  	v3 =	vshrl.u32 v2, $0x3  }
0x22d: {  	v3 =	vmul.u32 $0xC8, v3  }
0x22e: {  	v2 =	vand.u32 $0x7, v2  }
0x22f: {  	v2 =	vor.u32 v2, v3  }
0x230: {  	v2 =	vperm.xlane v2, v0;
	_ =	sdelay $0x1  }
0x231: {  	v2 =	vadd.s32 v1, v2;
	_ =	sdelay $0x3  }
0x232: {  	s12 =	simm.s32 $0x6600  }
0x233: {  	[tilespmem:s12], [sflag:$0x2] =	stream.indirect_vreg.gather [hbm4b:s11+s4], $0x80, v2, vm1, $0xb8;
	[tilespmem:$0x19200] =	vst v63  }
0x234: {  	s16 =	simm.s32 $0x6E00  }
0x235: {  	[tilespmem:s16], [sflag:$0x2] =	stream.indirect_vreg.gather [hbm4b:s20+s4], $0x80, v2, vm1, $0xb8;
	[tilespmem:$0x19200] =	vst v63  }
0x236: {  	s17 =	simm.s32 $0x7600  }
0x237: {  	[tilespmem:s17], [sflag:$0x2] =	stream.indirect_vreg.gather [hbm4b:s21+s4], $0x80, v2, vm1, $0xb8;
	[tilespmem:$0x19200] =	vst v63  }
0x238: {  	s22 =	simm.s32 $0x7E00  }
0x239: {  	[tilespmem:s22], [sflag:$0x2] =	stream.indirect_vreg.gather [hbm4b:s26+s4], $0x80, v2, vm1, $0xb8;
	[tilespmem:$0x19200] =	vst v63  }
0x23a: {  	s25 =	simm.s32 $0x8600  }
0x23b: {  	[tilespmem:s25], [sflag:$0x2] =	stream.indirect_vreg.gather [hbm4b:s28+s4], $0x80, v2, vm1, $0xb8;
	[tilespmem:$0x19200] =	vst v63  }
0x23c: {  	s2 =	simm.s32 $0x8E00  }
0x23d: {  	[tilespmem:s2], [sflag:$0x2] =	stream.indirect_vreg.gather [hbm4b:s29+s4], $0x80, v2, vm1, $0xb8;
	[tilespmem:$0x19200] =	vst v63  }
0x23e: {  	s3 =	simm.s32 $0x9600  }
0x23f: {  	[tilespmem:s3], [sflag:$0x2] =	stream.indirect_vreg.gather [hbm4b:s30+s4], $0x80, v2, vm1, $0xb8;
	[tilespmem:$0x19200] =	vst v63  }
0x240: {  	s7 =	simm.s32 $0x9E00  }
0x241: {  	[tilespmem:s7], [sflag:$0x2] =	stream.indirect_vreg.gather [hbm4b:s31+s4], $0x80, v2, vm1, $0xb8;
	[tilespmem:$0x19200] =	vst v63  }
0x242: {  	s8 =	simm.s32 $0xA600  }
0x243: {  	[tilespmem:s8], [sflag:$0x2] =	stream.indirect_vreg.gather [hbm4b:s10+s4], $0x80, v2, vm1, $0xb8;
	[tilespmem:$0x19200] =	vst v63  }
0x244: {  	s9 =	simm.s32 $0xAE00  }
0x245: {  	[tilespmem:s9], [sflag:$0x2] =	stream.indirect_vreg.gather [hbm4b:s13+s4], $0x80, v2, vm1, $0xb8;
	[tilespmem:$0x19200] =	vst v63  }
0x246: {  	s11 =	simm.s32 $0xB600  }
0x247: {  	[tilespmem:s11], [sflag:$0x2] =	stream.indirect_vreg.gather [hbm4b:s23+s4], $0x80, v2, vm1, $0xb8;
	[tilespmem:$0x19200] =	vst v63  }
0x248: {  	s12 =	simm.s32 $0xBE00;
	s16 =	rddreg [dreg:$0x1c]  }
0x249: {  	[tilespmem:s12], [sflag:$0x2] =	stream.indirect_vreg.gather [hbm4b:s16+s4], $0x80, v2, vm1, $0xb8;
	[tilespmem:$0x19200] =	vst v63  }
0x24a: {  	s17 =	simm.s32 $0xC600  }
0x24b: {  	[tilespmem:s17], [sflag:$0x2] =	stream.indirect_vreg.gather [hbm4b:s1+s4], $0x80, v2, vm0, $0xb8;
	[tilespmem:$0x19200] =	vst v63  }
0x24c: {  	_ =	swait.ge [sflag:s24], $0x6400  }
0x24d: {  	s25 =	simm.s32 $0x8;
	s22 =	rddreg [dreg:$0x7];
	[sflag:s24] =	ssyncset.done $0x0  }
0x24e: {  	[sflag:s24] =	ssyncadd.s32 $0xFFFF9C00;
	s2 =	sadd.s32 s19, s22;
	s24 =	simm.s32 $0x200  }
0x24f: {  	[hbm4b:s2+s4] =	stream.linear.scatter [tilespmem:s24], [sflag:$0x3], $0x6400, $0x38;
	[tilespmem:$0x19200] =	vst v63  }
0x250: {  	_ =	swait.ge [sflag:s25], $0xC80  }
0x251: {  	[sflag:s25] =	ssyncset.done $0x0  }
0x252: {  	[sflag:s25] =	ssyncadd.s32 $0xFFFFF380  }
0x253: {  	v2 =	vld.msk [tilespmem:s5+$0xFFFFFF08], $0xff;
	_ =	sdelay $0x4  }
0x254: {  	(v2sf) =	vpush v2, $0x0;
	_ =	sdelay $0x8  }
0x255: {  	(v2sf) =	vpush v2, $0x1  }
0x256: {  	p0 =	sne.s32 s6, $0x15E00;
	(v2sf) =	vpush v2, $0x2  }
.Ltmp0:
0x257: {  	(v2sf) =	vpush v2, $0x3;
	(pc) =	sbr.rel @p0 .LBB2_2-.Ltmp0, $4  }
0x258: {  	(v2sf) =	vpush v2, $0x4  }
0x259: {  	(v2sf) =	vpush v2, $0x5  }
0x25a: {  	(v2sf) =	vpush v2, $0x6  }
0x25b: {  	s6 =	sadd.s32 $0x1900, s6;
	s15 =	simm.s32 $0x6600;
	(v2sf) =	vpush v2, $0x7;
	s2 =	spop (v2sf)  }
0x25c: {  	_ =	sdelay $0x5  }
0x25d: {  	s0 =	rddreg [dreg:$0x1]  }
0x25e: {  	s7 =	sshrl.u32 s2, $0x3;
	s1 =	sshll.u32 s2, $0x7;
	s16 =	rddreg [dreg:$0xc]  }
0x25f: {  	s12 =	simm.s32 $0x80;
	s17 =	rddreg [dreg:$0xf];
	s3 =	spop (v2sf)  }
0x260: {  	s14 =	simm.s32 $0x1;
	s7 =	smul.u32 $0x6400, s7;
	s6 =	spop (v2sf)  }
0x261: {  	s2 =	sand.u32 $0x380, s1;
	s5 =	sshrl.u32 s3, $0x3;
	s8 =	spop (v2sf)  }
0x262: {  	s3 =	sshll.u32 s3, $0x7;
	s5 =	smul.u32 $0x6400, s5;
	s9 =	spop (v2sf)  }
0x263: {  	s2 =	sor.u32 s2, s7;
	s3 =	sand.u32 $0x380, s3;
	s11 =	spop (v2sf)  }
0x264: {  	s2 =	sshrl.u32 s2, $0x3;
	s3 =	sor.u32 s3, s5;
	s7 =	spop (v2sf)  }
0x265: {  	s2 =	sadd.s32 s0, s2;
	s3 =	sshrl.u32 s3, $0x3;
	s5 =	spop (v2sf)  }
0x266: {  	[spmem:s16@s12], [sflag:s17] =	dma.strided [hbm:s2@s12], $0x190, s14, $0x10   }
0x267: {  	s24 =	sshrl.u32 s6, $0x3;
	s2 =	sadd.s32 s0, s3;
	s22 =	rddreg [dreg:$0x14]  }
0x268: {  	[spmem:s22@s12], [sflag:s17] =	dma.strided [hbm:s2@s12], $0x190, s14, $0x10   }
0x269: {  	s25 =	sshll.u32 s6, $0x7;
	s2 =	smul.u32 $0x6400, s24  }
0x26a: {  	s3 =	sand.u32 $0x380, s25  }
0x26b: {  	s2 =	sor.u32 s3, s2  }
0x26c: {  	s2 =	sshrl.u32 s2, $0x3  }
0x26d: {  	s6 =	sshrl.u32 s8, $0x3;
	s1 =	rddreg [dreg:$0x15];
	s2 =	sadd.s32 s0, s2  }
0x26e: {  	[spmem:s1@s12], [sflag:s17] =	dma.strided [hbm:s2@s12], $0x190, s14, $0x10   }
0x26f: {  	s8 =	sshll.u32 s8, $0x7;
	s2 =	smul.u32 $0x6400, s6  }
0x270: {  	s3 =	sand.u32 $0x380, s8  }
0x271: {  	s2 =	sor.u32 s3, s2  }
0x272: {  	s2 =	sshrl.u32 s2, $0x3  }
0x273: {  	s24 =	sshrl.u32 s9, $0x3;
	s22 =	rddreg [dreg:$0x16];
	s2 =	sadd.s32 s0, s2  }
0x274: {  	[spmem:s22@s12], [sflag:s17] =	dma.strided [hbm:s2@s12], $0x190, s14, $0x10   }
0x275: {  	s25 =	sshll.u32 s9, $0x7;
	s2 =	smul.u32 $0x6400, s24  }
0x276: {  	s3 =	sand.u32 $0x380, s25  }
0x277: {  	s2 =	sor.u32 s3, s2  }
0x278: {  	s2 =	sshrl.u32 s2, $0x3  }
0x279: {  	s1 =	rddreg [dreg:$0x17];
	s3 =	sshrl.u32 s11, $0x3;
	s2 =	sadd.s32 s0, s2  }
0x27a: {  	[spmem:s1@s12], [sflag:s17] =	dma.strided [hbm:s2@s12], $0x190, s14, $0x10   }
0x27b: {  	s6 =	sshll.u32 s11, $0x7;
	s2 =	smul.u32 $0x6400, s3  }
0x27c: {  	s3 =	sand.u32 $0x380, s6  }
0x27d: {  	s2 =	sor.u32 s3, s2  }
0x27e: {  	s2 =	sshrl.u32 s2, $0x3  }
0x27f: {  	s9 =	sshrl.u32 s7, $0x3;
	s8 =	rddreg [dreg:$0x18];
	s2 =	sadd.s32 s0, s2  }
0x280: {  	[spmem:s8@s12], [sflag:s17] =	dma.strided [hbm:s2@s12], $0x190, s14, $0x10   }
0x281: {  	s11 =	sshll.u32 s7, $0x7;
	s2 =	smul.u32 $0x6400, s9  }
0x282: {  	s3 =	sand.u32 $0x380, s11  }
0x283: {  	s2 =	sor.u32 s3, s2  }
0x284: {  	s2 =	sshrl.u32 s2, $0x3  }
0x285: {  	s24 =	sshrl.u32 s5, $0x3;
	s22 =	rddreg [dreg:$0x19];
	s2 =	sadd.s32 s0, s2  }
0x286: {  	[spmem:s22@s12], [sflag:s17] =	dma.strided [hbm:s2@s12], $0x190, s14, $0x10   }
0x287: {  	s25 =	sshll.u32 s5, $0x7;
	s2 =	smul.u32 $0x6400, s24  }
0x288: {  	s3 =	sand.u32 $0x380, s25  }
0x289: {  	s2 =	sor.u32 s3, s2  }
0x28a: {  	s2 =	sshrl.u32 s2, $0x3  }
0x28b: {  	s1 =	rddreg [dreg:$0x1a];
	s3 =	simm.s32 $0x5;
	s2 =	sadd.s32 s0, s2  }
0x28c: {  	[spmem:s1@s12], [sflag:s17] =	dma.strided [hbm:s2@s12], $0x190, s14, $0x10   }
0x28d: {  	_ =	swait.ge [sflag:s3], $0xC80  }
0x28e: {  	s5 =	rddreg [dreg:$0x6]  }
0x28f: {  	s8 =	simm.s32 $0x3;
	[sflag:s3] =	ssyncset.done $0x0;
	s6 =	rddreg [dreg:$0x9]  }
0x290: {  	s7 =	rddreg [dreg:$0x1b];
	s2 =	sadd.s32 s19, s5;
	[sflag:s3] =	ssyncadd.s32 $0xFFFFF380  }
0x291: {  	[hbm:s2], [sflag:s7] =	dma.local [spmem:s6], $0xC80  }
0x292: {  	_ =	swait.ge [sflag:s8], $0x6400  }
0x293: {  	[sflag:s8] =	ssyncset.done $0x0  }
0x294: {  	s9 =	simm.s32 $0x2;
	[sflag:s8] =	ssyncadd.s32 $0xFFFF9C00  }
0x295: {  	_ =	swait.ge [sflag:s9], $0x6400  }
0x296: {  	s11 =	sld [smem:$0x7F2]  }
0x297: {  	[sflag:s9] =	ssyncset.done $0x0  }
0x298: {  	s12 =	simm.s32 $0x6;
	[sflag:s9] =	ssyncadd.s32 $0xFFFF9C00  }
0x299: {  	[hbm4b:s11+s4] =	stream.linear.scatter [tilespmem:s15], [sflag:$0x4], $0x6400, $0x38;
	[tilespmem:$0x19200] =	vst v63  }
0x29a: {  	_ =	swait.ge [sflag:s12], $0xC80  }
0x29b: {  	s14 =	sld [smem:$0x7F3]  }
0x29c: {  	[sflag:s12] =	ssyncset.done $0x0  }
0x29d: {  	s17 =	simm.s32 $0x4;
	s15 =	rddreg [dreg:$0x1d];
	[sflag:s12] =	ssyncadd.s32 $0xFFFFF380  }
0x29e: {  	[hbm:s14], [sflag:s15] =	dma.local [spmem:s16], $0xC80  }
0x29f: {  	_ =	swait.ge [sflag:s17], $0x6400  }
0x2a0: {  	[sflag:s17] =	ssyncset.done $0x0  }
0x2a1: {  	s19 =	simm.s32 $0x7;
	[sflag:s17] =	ssyncadd.s32 $0xFFFF9C00  }
0x2a2: {  	_ =	swait.ge [sflag:s19], $0xC80  }
0x2a3: {  	[sflag:s19] =	ssyncset.done $0x0  }
0x2a4: {  	s22 =	simm.s32 $0x8;
	[sflag:s19] =	ssyncadd.s32 $0xFFFFF380  }
0x2a5: {  	_ =	swait.ge [sflag:s22], $0xC80  }
0x2a6: {  	s24 =	sld [smem:$0x7E6]  }
0x2a7: {  	s25 =	sld [smem:$0x7F4];
	_ =	sdelay $0x1  }
0x2a8: {  	s3 =	sadd.s32 $0x1, s24  }
0x2a9: {  	p0 =	sne.s32 s3, s25  }
.Ltmp1:
0x2aa: {  	_ = 	snop;
	(pc) =	sbr.rel @p0 .LBB2_1-.Ltmp1, $4  }
0x2ab: {  	s9 =	simm.s32 $0x200;
	s12 =	simm.s32 $0xA00;
	s14 =	simm.s32 $0x1A00  }
0x2ac: {  	s15 =	simm.s32 $0x2200;
	s17 =	simm.s32 $0x3200;
	[sflag:s22] =	ssyncset.done $0x0  }
0x2ad: {  	s19 =	simm.s32 $0x3A00;
	s6 =	rddreg [dreg:$0x1c];
	[sflag:s22] =	ssyncadd.s32 $0xFFFFF380  }
0x2ae: {  	s22 =	simm.s32 $0x4200;
	s24 =	simm.s32 $0x4A00;
	s25 =	simm.s32 $0x5200  }
0x2af: {  	_ =	sfence.sel $0x180000  }
0x2b0: {  	[bflag:$0x0] =	sbarrier.arrive $0xFFFF  }
0x2b1: {  	_ =	strace $0x90000047  }
0x2b2: {  	s0 =	stileid.u32;
	[bflag:$0x2] =	sbarrier.arrive $0xFFFF  }
0x2b3: {  	p0 =	sne.s32 s0, $0x0;
	s0 =	rddreg [dreg:$0x4]  }
0x2b4: {  	s0 =	sadd.s32 @!p0 $0x100000, s0  }
0x2b5: {  	[sflag:s0] =	ssyncadd.tile.s32 @!p0 $0x1;
	_ =	shalt  }
.Lfunc_end2:
_tile_overlayer_lowered:
.L_overlay_start_2:
0x2b6: {  	(tag) =	ssettag $0x2  }
0x2b7: {  	s0 =	rddreg [dreg:$0x0];
	s2 =	stileid.u32  }
0x2b8: {  	s1 =	rddreg [dreg:$0x1];
	p0 =	sne.s32 s2, $0x0  }
0x2b9: {  	s3 =	rddreg [dreg:$0x2];
	[bflag:$0x3] =	sbarrier.arrive $0xFFFF;
	s2 =	simm.s32 @!p0 $0x1C09  }
0x2ba: {  	[timem:s3], [sflag:s2] =	dma.local @!p0 [hbm:s0], s1  }
0x2bb: {  	s0 =	simm.s32 @!p0 $0x9  }
0x2bc: {  	_ =	swait.ge @!p0 [sflag:s0], s1  }
0x2bd: {  	s1 =	ssub.s32 @!p0 $0x0, s1;
	[sflag:s0] =	ssyncset.done @!p0 $0x0  }
0x2be: {  	[sflag:s0] =	ssyncadd.s32 @!p0 s1  }
0x2bf: {  	[bflag:$0x3] =	sbarrier.arrive $0xFFFF  }
0x2c0: {  	_ =	shalt  }

</sc_bundles>
